<compile_context>
chip_gen: v7x
topology: tpu7x:2x2x1
jax: 0.10.2.dev20260603
libtpu: 0.0.44.dev20260713+nightly
codegen_flags: <defaults>
</compile_context>

<pallas_src>
import functools

import jax
import jax.numpy as jnp
from jax import lax
from jax.experimental import pallas as pl
from jax.experimental.pallas import tpu as pltpu
from jax.experimental.pallas import tpu_sc as plsc

T, D, E, K, IM, IS = 2048, 1024, 8, 2, 512, 512
BT = 512
NB = 16
NSLOT = NB * BT
NBD = NB + 1
NW = 32
TPW = T // NW


def _silu(v):
    return v * jax.nn.sigmoid(v)


def _router_body(x_ref, nw_ref, wg_ref, gb_ref, h_ref, meta_ref, smeta_ref):
    x = x_ref[...]
    h = x * lax.rsqrt(jnp.mean(x * x, axis=-1, keepdims=True) + 1e-6)
    h = h * nw_ref[...]
    h_ref[...] = h

    logits = lax.dot_general(h, wg_ref[...], (((1,), (1,)), ((), ())),
                             preferred_element_type=jnp.float32)
    scores = jax.nn.sigmoid(logits)
    biased = scores + gb_ref[...]

    eids = lax.broadcasted_iota(jnp.int32, (T, E), 1)
    m1 = jnp.max(biased, axis=1, keepdims=True)
    i1 = jnp.min(jnp.where(biased == m1, eids, E), axis=1, keepdims=True)
    b2 = jnp.where(eids == i1, -jnp.inf, biased)
    m2 = jnp.max(b2, axis=1, keepdims=True)
    i2 = jnp.min(jnp.where(b2 == m2, eids, E), axis=1, keepdims=True)

    sel1 = (eids == i1)
    sel2 = (eids == i2)
    w1 = jnp.sum(jnp.where(sel1, scores, 0.0), axis=1, keepdims=True)
    w2 = jnp.sum(jnp.where(sel2, scores, 0.0), axis=1, keepdims=True)
    den = w1 + w2 + 1e-20
    w1 = w1 / den
    w2 = w2 / den

    onehot = (sel1 | sel2).astype(jnp.bfloat16)
    CH = 128
    rows = lax.broadcasted_iota(jnp.int32, (CH, CH), 0)
    cols = lax.broadcasted_iota(jnp.int32, (CH, CH), 1)
    lt = (cols < rows).astype(jnp.bfloat16)
    carry = jnp.zeros((1, E), jnp.float32)
    parts = []
    for c in range(T // CH):
        oh = onehot[c * CH:(c + 1) * CH, :]
        rc = lax.dot_general(lt, oh, (((1,), (0,)), ((), ())),
                             preferred_element_type=jnp.float32)
        parts.append(rc + carry)
        carry = carry + jnp.sum(oh.astype(jnp.float32), axis=0, keepdims=True)
    rank = lax.concatenate(parts, 0)

    counts = carry
    pb = jnp.floor((counts + (BT - 1)) * (1.0 / BT))
    lt8 = (lax.broadcasted_iota(jnp.int32, (E, E), 0)
           < lax.broadcasted_iota(jnp.int32, (E, E), 1)).astype(jnp.float32)
    offb = lax.dot_general(pb, lt8, (((1,), (0,)), ((), ())),
                           preferred_element_type=jnp.float32)
    nb_used = jnp.sum(pb, axis=1, keepdims=True)

    offs = offb * float(BT)
    off1 = jnp.sum(jnp.where(sel1, offs, 0.0), axis=1, keepdims=True)
    off2 = jnp.sum(jnp.where(sel2, offs, 0.0), axis=1, keepdims=True)
    r1 = jnp.sum(jnp.where(sel1, rank, 0.0), axis=1, keepdims=True)
    r2 = jnp.sum(jnp.where(sel2, rank, 0.0), axis=1, keepdims=True)
    p1 = off1 + r1
    p2 = off2 + r2

    meta_ref[...] = lax.concatenate(
        [p1, p2, w1, w2, jnp.zeros((T, 4), jnp.float32)], 1)
    srow = lax.concatenate([offb, nb_used, jnp.zeros((1, 7), jnp.float32)], 1)
    smeta_ref[...] = jnp.broadcast_to(srow, (8, 16)).astype(jnp.int32)


def _router_call(x, norm_w, Wg_router, gate_bias):
    return pl.pallas_call(
        _router_body,
        out_shape=(
            jax.ShapeDtypeStruct((T, D), jnp.float32),
            jax.ShapeDtypeStruct((T, 8), jnp.float32),
            jax.ShapeDtypeStruct((8, 16), jnp.int32),
        ),
    )(x, norm_w.reshape(1, D), Wg_router, gate_bias.reshape(1, E))


def _dispatch_sc(h, p1, p2):
    mesh = plsc.VectorSubcoreMesh(core_axis_name="c", subcore_axis_name="s")

    @functools.partial(
        pl.kernel, mesh=mesh,
        out_type=jax.ShapeDtypeStruct((NSLOT, D), jnp.float32),
        scratch_types=[
            pltpu.VMEM((TPW,), jnp.int32),
            pltpu.VMEM((TPW,), jnp.int32),
            pltpu.VMEM((TPW, D), jnp.float32),
            pltpu.SemaphoreType.DMA,
        ],
    )
    def body(h_hbm, p1_hbm, p2_hbm, hs_hbm, idx1_v, idx2_v, rows_v, sem):
        wid = lax.axis_index("s") * 2 + lax.axis_index("c")
        base = wid * TPW
        pltpu.sync_copy(p1_hbm.at[pl.ds(base, TPW)], idx1_v)
        pltpu.sync_copy(p2_hbm.at[pl.ds(base, TPW)], idx2_v)
        pltpu.sync_copy(h_hbm.at[pl.ds(base, TPW)], rows_v)
        pltpu.async_copy(rows_v, hs_hbm.at[idx1_v], sem).wait()
        pltpu.async_copy(rows_v, hs_hbm.at[idx2_v], sem).wait()

    return body(h, p1, p2)


def _ffn_body(smeta_ref, hs_ref, wg_ref, wu_ref, wd_ref, ys_ref):
    b = pl.program_id(0)

    @pl.when(b < smeta_ref[0, 8])
    def _():
        hb = hs_ref[...]
        g = jnp.dot(hb, wg_ref[0], preferred_element_type=jnp.float32)
        u = jnp.dot(hb, wu_ref[0], preferred_element_type=jnp.float32)
        act = _silu(g) * u
        ys_ref[...] = jnp.dot(act, wd_ref[0], preferred_element_type=jnp.float32)


def _block_expert(bc, sm):
    be = jnp.int32(-1)
    for e in range(E):
        be = be + jnp.where(sm[0, e] <= bc, 1, 0).astype(jnp.int32)
    return be


def _ffn_call(smeta, hs, We_gate, We_up, We_down):
    def hs_map(b, sm):
        return (jnp.minimum(b, sm[0, 8]), 0)

    def w_map(b, sm):
        return (_block_expert(jnp.minimum(b, sm[0, 8] - 1), sm), 0, 0)

    def ys_map(b, sm):
        return (jnp.minimum(b, sm[0, 8]), 0)

    spec = pltpu.PrefetchScalarGridSpec(
        num_scalar_prefetch=1,
        grid=(NB,),
        in_specs=[
            pl.BlockSpec((BT, D), hs_map),
            pl.BlockSpec((1, D, IM), w_map),
            pl.BlockSpec((1, D, IM), w_map),
            pl.BlockSpec((1, IM, D), w_map),
        ],
        out_specs=pl.BlockSpec((BT, D), ys_map),
    )
    return pl.pallas_call(
        _ffn_body,
        grid_spec=spec,
        out_shape=jax.ShapeDtypeStruct((NBD * BT, D), jnp.float32),
    )(smeta, hs, We_gate, We_up, We_down)


def _gather_sc(ys, p1, p2):
    mesh = plsc.VectorSubcoreMesh(core_axis_name="c", subcore_axis_name="s")

    @functools.partial(
        pl.kernel, mesh=mesh,
        out_type=(
            jax.ShapeDtypeStruct((T, D), jnp.float32),
            jax.ShapeDtypeStruct((T, D), jnp.float32),
        ),
        scratch_types=[
            pltpu.VMEM((TPW,), jnp.int32),
            pltpu.VMEM((TPW, D), jnp.float32),
            pltpu.SemaphoreType.DMA,
        ],
    )
    def body(ys_hbm, p1_hbm, p2_hbm, g1_hbm, g2_hbm, idx_v, rows_v, sem):
        wid = lax.axis_index("s") * 2 + lax.axis_index("c")
        base = wid * TPW
        pltpu.sync_copy(p1_hbm.at[pl.ds(base, TPW)], idx_v)
        pltpu.async_copy(ys_hbm.at[idx_v], rows_v, sem).wait()
        pltpu.sync_copy(rows_v, g1_hbm.at[pl.ds(base, TPW)])
        pltpu.sync_copy(p2_hbm.at[pl.ds(base, TPW)], idx_v)
        pltpu.async_copy(ys_hbm.at[idx_v], rows_v, sem).wait()
        pltpu.sync_copy(rows_v, g2_hbm.at[pl.ds(base, TPW)])

    return body(ys, p1, p2)


def _shared_body(h_ref, wsg_ref, wsu_ref, wsd_ref, out_ref):
    hb = h_ref[...]
    a = jnp.dot(hb, wsg_ref[...], preferred_element_type=jnp.float32)
    u = jnp.dot(hb, wsu_ref[...], preferred_element_type=jnp.float32)
    out_ref[...] = jnp.dot(_silu(a) * u, wsd_ref[...],
                           preferred_element_type=jnp.float32)


def _shared_call(h, Ws_gate, Ws_up, Ws_down, row0, nrows):
    BTOK = 256
    tok_in = lambda b: (row0 // BTOK + b, 0)
    tok_out = lambda b: (b, 0)
    fixed = lambda b: (0, 0)
    return pl.pallas_call(
        _shared_body,
        grid=(nrows // BTOK,),
        in_specs=[
            pl.BlockSpec((BTOK, D), tok_in),
            pl.BlockSpec((D, IS), fixed),
            pl.BlockSpec((D, IS), fixed),
            pl.BlockSpec((IS, D), fixed),
        ],
        out_specs=pl.BlockSpec((BTOK, D), tok_out),
        out_shape=jax.ShapeDtypeStruct((nrows, D), jnp.float32),
    )(h, Ws_gate, Ws_up, Ws_down)


def _combine_body(x_ref, ysha_ref, yshb_ref, meta_ref, g1_ref, g2_ref, out_ref):
    b = pl.program_id(0)
    nh = pl.num_programs(0) // 2
    w1 = meta_ref[:, 2:3]
    w2 = meta_ref[:, 3:4]
    ysh = jnp.where(b < nh, ysha_ref[...], yshb_ref[...])
    out_ref[...] = (x_ref[...] + ysh
                    + w1 * g1_ref[...] + w2 * g2_ref[...])


def _combine_call(x, ysh_a, ysh_b, meta, g1, g2):
    BTOK = 256
    nb = T // BTOK
    nh = nb // 2
    tok = lambda b: (b, 0)
    amap = lambda b: (jnp.minimum(b, nh - 1), 0)
    bmap = lambda b: (jnp.maximum(b - nh, 0), 0)
    return pl.pallas_call(
        _combine_body,
        grid=(nb,),
        in_specs=[
            pl.BlockSpec((BTOK, D), tok),
            pl.BlockSpec((BTOK, D), amap),
            pl.BlockSpec((BTOK, D), bmap),
            pl.BlockSpec((BTOK, 8), tok),
            pl.BlockSpec((BTOK, D), tok),
            pl.BlockSpec((BTOK, D), tok),
        ],
        out_specs=pl.BlockSpec((BTOK, D), tok),
        out_shape=jax.ShapeDtypeStruct((T, D), jnp.float32),
    )(x, ysh_a, ysh_b, meta, g1, g2)


def kernel(x, norm_w, Wg_router, gate_bias, Ws_gate, Ws_up, Ws_down,
           We_gate, We_up, We_down):
    h, meta, smeta8 = _router_call(x, norm_w, Wg_router, gate_bias)
    p1 = meta[:, 0].astype(jnp.int32)
    p2 = meta[:, 1].astype(jnp.int32)
    hs = _dispatch_sc(h, p1, p2)
    ysh_a = _shared_call(h, Ws_gate, Ws_up, Ws_down, 0, T // 2)
    ys = _ffn_call(smeta8, hs, We_gate, We_up, We_down)
    ysh_b = _shared_call(h, Ws_gate, Ws_up, Ws_down, T // 2, T // 2)
    g1, g2 = _gather_sc(ys, p1, p2)
    return _combine_call(x, ysh_a, ysh_b, meta, g1, g2)

# --- scband reference (transcript-rebuilt; emitter-appended) ---
"""Pipeline reference for scband-block-84988812853887 (READ-ONLY COPY).

The authoritative reference and input builder live on the scoring server;
editing this copy changes nothing except your own understanding.
"""

import jax, jax.numpy as jnp
import numpy as np

T, D, E, K, IM, IS = 2048, 1024, 8, 2, 512, 512

def setup_inputs(seed: int = 0) -> dict:
    key = jax.random.key(seed)
    ks = jax.random.split(key, 10)
    x = jax.random.normal(ks[0], (T, D), dtype=jnp.float32)
    norm_w = jnp.ones((D,), dtype=jnp.float32)
    Wg_router = jax.random.normal(ks[1], (E, D), dtype=jnp.float32) * 0.02
    gate_bias = jnp.zeros((E,), dtype=jnp.float32)
    Ws_gate = jax.random.normal(ks[2], (D, IS), dtype=jnp.float32) * 0.02
    Ws_up = jax.random.normal(ks[3], (D, IS), dtype=jnp.float32) * 0.02
    Ws_down = jax.random.normal(ks[4], (IS, D), dtype=jnp.float32) * 0.02
    We_gate = jax.random.normal(ks[5], (E, D, IM), dtype=jnp.float32) * 0.02
    We_up = jax.random.normal(ks[6], (E, D, IM), dtype=jnp.float32) * 0.02
    We_down = jax.random.normal(ks[7], (E, IM, D), dtype=jnp.float32) * 0.02
    return {"x": x, "norm_w": norm_w, "Wg_router": Wg_router, "gate_bias": gate_bias,
            "Ws_gate": Ws_gate, "Ws_up": Ws_up, "Ws_down": Ws_down,
            "We_gate": We_gate, "We_up": We_up, "We_down": We_down}

def _rmsnorm(x, w, eps=1e-6):
    return x * jax.lax.rsqrt(jnp.mean(x * x, axis=-1, keepdims=True) + eps) * w

def reference(x, norm_w, Wg_router, gate_bias, Ws_gate, Ws_up, Ws_down, We_gate, We_up, We_down):
    # Block.forward: x = ffn(norm2(x)) + x, ffn = V3MoE (DeepSeek-V3 style MoE)
    h = _rmsnorm(x, norm_w)
    # --- Gate: sigmoid scores, aux-free bias for selection, normalized top-k weights ---
    logits = h @ Wg_router.T                       # [T, E]
    scores = jax.nn.sigmoid(logits)
    biased = scores + gate_bias
    _, topi = jax.lax.top_k(biased, K)             # [T, K] expert ids
    topw = jnp.take_along_axis(scores, topi, axis=1)
    topw = topw / (jnp.sum(topw, axis=-1, keepdims=True) + 1e-20)  # route_scale = 1.0
    # scatter combine-weights into dense [T, E] dispatch matrix
    cw = jnp.zeros((T, E), dtype=h.dtype).at[jnp.arange(T)[:, None], topi].set(topw)
    # --- Routed experts (SwiGLU), weighted-combined ---
    g = jnp.einsum('td,edi->tei', h, We_gate)
    u = jnp.einsum('td,edi->tei', h, We_up)
    act = jax.nn.silu(g) * u
    y_routed = jnp.einsum('tei,eid->td', act * cw[:, :, None], We_down)
    # --- Shared expert (SwiGLU) ---
    y_shared = (jax.nn.silu(h @ Ws_gate) * (h @ Ws_up)) @ Ws_down
    return y_routed + y_shared + x

if __name__ == "__main__":
    import jax
    _d = setup_inputs()
    print(jax.jit(kernel)(*tuple(_d.values())))

</pallas_src>

<mosaic_0001>
#map = affine_map<(d0, d1) -> (0, 0)>
#map1 = affine_map<(d0, d1) -> (0)>
module attributes {stable_mosaic.version = 14 : i64} {
  func.func @body(%arg0: i32, %arg1: i32, %arg2: memref<8704x1024xf32, #tpu.memory_space<hbm>>, %arg3: memref<2048xi32, #tpu.memory_space<hbm>>, %arg4: memref<2048xi32, #tpu.memory_space<hbm>>, %arg5: memref<2048x1024xf32, #tpu.memory_space<hbm>>, %arg6: memref<2048x1024xf32, #tpu.memory_space<hbm>>, %arg7: memref<64xi32, #tpu.memory_space<vmem>>, %arg8: memref<64x1024xf32, #tpu.memory_space<vmem>>, %arg9: memref<!tpu.dma_semaphore, #tpu.memory_space<semaphore_mem>>) attributes {dimension_semantics = [#tpu.dimension_semantics<core_parallel>, #tpu.dimension_semantics<subcore_parallel>], iteration_bounds = array<i64: 2, 16>, scalar_prefetch = 0 : i64, scratch_operands = 3 : i64, tpu.core_type = #tpu.core_type<sc_vector_subcore>, window_params = [{transform_indices = #map}, {transform_indices = #map1}, {transform_indices = #map1}, {transform_indices = #map}, {transform_indices = #map}]} {
    %mul3A = arith.constant 2 : i32
    %mul3A_0 = arith.muli %arg1, %mul3A : i32
    %add3A = arith.addi %mul3A_0, %arg0 : i32
    %mul3A_1 = arith.constant 64 : i32
    %mul3A_2 = arith.muli %add3A, %mul3A_1 : i32
    "tpu.region"() ({
      %run_scoped3A = tpu.sem_alloc : memref<!tpu.dma_semaphore, #tpu.memory_space<semaphore_mem>>
      %dma_start3A_13 = tpu.memref_slice %arg3[%mul3A_2] : memref<2048xi32, #tpu.memory_space<hbm>> -> memref<64xi32, #tpu.memory_space<hbm>>
      %dma_start3A_14 = tpu.memref_slice %arg3[%mul3A_2] : memref<2048xi32, #tpu.memory_space<hbm>> -> memref<64xi32, #tpu.memory_space<hbm>>
      tpu.enqueue_dma source(%dma_start3A_14 : memref<64xi32, #tpu.memory_space<hbm>>) target(%arg7 : memref<64xi32, #tpu.memory_space<vmem>>) target_semaphore(%run_scoped3A : memref<!tpu.dma_semaphore, #tpu.memory_space<semaphore_mem>>)
      %dma_wait3A_15 = tpu.memref_slice %arg3[%mul3A_2] : memref<2048xi32, #tpu.memory_space<hbm>> -> memref<64xi32, #tpu.memory_space<hbm>>
      %dma_wait3A_16 = tpu.memref_slice %arg3[%mul3A_2] : memref<2048xi32, #tpu.memory_space<hbm>> -> memref<64xi32, #tpu.memory_space<hbm>>
      tpu.wait_dma2 semaphore(%run_scoped3A : memref<!tpu.dma_semaphore, #tpu.memory_space<semaphore_mem>>) src(%dma_wait3A_16 : memref<64xi32, #tpu.memory_space<hbm>>) dst(%arg7 : memref<64xi32, #tpu.memory_space<vmem>>)
      tpu.yield
    }) : () -> ()
    %dma_start3A = arith.constant 0 : i32
    %dma_start3A_3 = arith.constant 0 : i32
    %dma_start3A_4 = tpu.memref_slice %arg2[%dma_start3A, %dma_start3A_3] : memref<8704x1024xf32, #tpu.memory_space<hbm>> -> memref<8704x1024xf32, #tpu.memory_space<hbm>>
    tpu.enqueue_indirect_dma source(%dma_start3A_4 : memref<8704x1024xf32, #tpu.memory_space<hbm>>) target(%arg8 : memref<64x1024xf32, #tpu.memory_space<vmem>>) offsets(%arg7 : memref<64xi32, #tpu.memory_space<vmem>>) semaphore(%arg9 : memref<!tpu.dma_semaphore, #tpu.memory_space<semaphore_mem>>)
    %dma_wait3A = arith.constant 0 : i32
    %dma_wait3A_5 = arith.constant 0 : i32
    %dma_wait3A_6 = tpu.memref_slice %arg2[%dma_wait3A, %dma_wait3A_5] : memref<8704x1024xf32, #tpu.memory_space<hbm>> -> memref<8704x1024xf32, #tpu.memory_space<hbm>>
    tpu.wait_indirect_dma semaphore(%arg9 : memref<!tpu.dma_semaphore, #tpu.memory_space<semaphore_mem>>) src(%dma_wait3A_6 : memref<8704x1024xf32, #tpu.memory_space<hbm>>) dst(%arg8 : memref<64x1024xf32, #tpu.memory_space<vmem>>)
    "tpu.region"() ({
      %run_scoped3A = tpu.sem_alloc : memref<!tpu.dma_semaphore, #tpu.memory_space<semaphore_mem>>
      %dma_start3A_13 = arith.constant 0 : i32
      %dma_start3A_14 = tpu.memref_slice %arg5[%mul3A_2, %dma_start3A_13] : memref<2048x1024xf32, #tpu.memory_space<hbm>> -> memref<64x1024xf32, #tpu.memory_space<hbm>>
      %dma_start3A_15 = arith.constant 0 : i32
      %dma_start3A_16 = tpu.memref_slice %arg5[%mul3A_2, %dma_start3A_15] : memref<2048x1024xf32, #tpu.memory_space<hbm>> -> memref<64x1024xf32, #tpu.memory_space<hbm>>
      tpu.enqueue_dma source(%arg8 : memref<64x1024xf32, #tpu.memory_space<vmem>>) target(%dma_start3A_16 : memref<64x1024xf32, #tpu.memory_space<hbm>>) target_semaphore(%run_scoped3A : memref<!tpu.dma_semaphore, #tpu.memory_space<semaphore_mem>>)
      %dma_wait3A_17 = arith.constant 0 : i32
      %dma_wait3A_18 = tpu.memref_slice %arg5[%mul3A_2, %dma_wait3A_17] : memref<2048x1024xf32, #tpu.memory_space<hbm>> -> memref<64x1024xf32, #tpu.memory_space<hbm>>
      %dma_wait3A_19 = arith.constant 0 : i32
      %dma_wait3A_20 = tpu.memref_slice %arg5[%mul3A_2, %dma_wait3A_19] : memref<2048x1024xf32, #tpu.memory_space<hbm>> -> memref<64x1024xf32, #tpu.memory_space<hbm>>
      tpu.wait_dma2 semaphore(%run_scoped3A : memref<!tpu.dma_semaphore, #tpu.memory_space<semaphore_mem>>) src(%arg8 : memref<64x1024xf32, #tpu.memory_space<vmem>>) dst(%dma_wait3A_20 : memref<64x1024xf32, #tpu.memory_space<hbm>>)
      tpu.yield
    }) : () -> ()
    "tpu.region"() ({
      %run_scoped3A = tpu.sem_alloc : memref<!tpu.dma_semaphore, #tpu.memory_space<semaphore_mem>>
      %dma_start3A_13 = tpu.memref_slice %arg4[%mul3A_2] : memref<2048xi32, #tpu.memory_space<hbm>> -> memref<64xi32, #tpu.memory_space<hbm>>
      %dma_start3A_14 = tpu.memref_slice %arg4[%mul3A_2] : memref<2048xi32, #tpu.memory_space<hbm>> -> memref<64xi32, #tpu.memory_space<hbm>>
      tpu.enqueue_dma source(%dma_start3A_14 : memref<64xi32, #tpu.memory_space<hbm>>) target(%arg7 : memref<64xi32, #tpu.memory_space<vmem>>) target_semaphore(%run_scoped3A : memref<!tpu.dma_semaphore, #tpu.memory_space<semaphore_mem>>)
      %dma_wait3A_15 = tpu.memref_slice %arg4[%mul3A_2] : memref<2048xi32, #tpu.memory_space<hbm>> -> memref<64xi32, #tpu.memory_space<hbm>>
      %dma_wait3A_16 = tpu.memref_slice %arg4[%mul3A_2] : memref<2048xi32, #tpu.memory_space<hbm>> -> memref<64xi32, #tpu.memory_space<hbm>>
      tpu.wait_dma2 semaphore(%run_scoped3A : memref<!tpu.dma_semaphore, #tpu.memory_space<semaphore_mem>>) src(%dma_wait3A_16 : memref<64xi32, #tpu.memory_space<hbm>>) dst(%arg7 : memref<64xi32, #tpu.memory_space<vmem>>)
      tpu.yield
    }) : () -> ()
    %dma_start3A_7 = arith.constant 0 : i32
    %dma_start3A_8 = arith.constant 0 : i32
    %dma_start3A_9 = tpu.memref_slice %arg2[%dma_start3A_7, %dma_start3A_8] : memref<8704x1024xf32, #tpu.memory_space<hbm>> -> memref<8704x1024xf32, #tpu.memory_space<hbm>>
    tpu.enqueue_indirect_dma source(%dma_start3A_9 : memref<8704x1024xf32, #tpu.memory_space<hbm>>) target(%arg8 : memref<64x1024xf32, #tpu.memory_space<vmem>>) offsets(%arg7 : memref<64xi32, #tpu.memory_space<vmem>>) semaphore(%arg9 : memref<!tpu.dma_semaphore, #tpu.memory_space<semaphore_mem>>)
    %dma_wait3A_10 = arith.constant 0 : i32
    %dma_wait3A_11 = arith.constant 0 : i32
    %dma_wait3A_12 = tpu.memref_slice %arg2[%dma_wait3A_10, %dma_wait3A_11] : memref<8704x1024xf32, #tpu.memory_space<hbm>> -> memref<8704x1024xf32, #tpu.memory_space<hbm>>
    tpu.wait_indirect_dma semaphore(%arg9 : memref<!tpu.dma_semaphore, #tpu.memory_space<semaphore_mem>>) src(%dma_wait3A_12 : memref<8704x1024xf32, #tpu.memory_space<hbm>>) dst(%arg8 : memref<64x1024xf32, #tpu.memory_space<vmem>>)
    "tpu.region"() ({
      %run_scoped3A = tpu.sem_alloc : memref<!tpu.dma_semaphore, #tpu.memory_space<semaphore_mem>>
      %dma_start3A_13 = arith.constant 0 : i32
      %dma_start3A_14 = tpu.memref_slice %arg6[%mul3A_2, %dma_start3A_13] : memref<2048x1024xf32, #tpu.memory_space<hbm>> -> memref<64x1024xf32, #tpu.memory_space<hbm>>
      %dma_start3A_15 = arith.constant 0 : i32
      %dma_start3A_16 = tpu.memref_slice %arg6[%mul3A_2, %dma_start3A_15] : memref<2048x1024xf32, #tpu.memory_space<hbm>> -> memref<64x1024xf32, #tpu.memory_space<hbm>>
      tpu.enqueue_dma source(%arg8 : memref<64x1024xf32, #tpu.memory_space<vmem>>) target(%dma_start3A_16 : memref<64x1024xf32, #tpu.memory_space<hbm>>) target_semaphore(%run_scoped3A : memref<!tpu.dma_semaphore, #tpu.memory_space<semaphore_mem>>)
      %dma_wait3A_17 = arith.constant 0 : i32
      %dma_wait3A_18 = tpu.memref_slice %arg6[%mul3A_2, %dma_wait3A_17] : memref<2048x1024xf32, #tpu.memory_space<hbm>> -> memref<64x1024xf32, #tpu.memory_space<hbm>>
      %dma_wait3A_19 = arith.constant 0 : i32
      %dma_wait3A_20 = tpu.memref_slice %arg6[%mul3A_2, %dma_wait3A_19] : memref<2048x1024xf32, #tpu.memory_space<hbm>> -> memref<64x1024xf32, #tpu.memory_space<hbm>>
      tpu.wait_dma2 semaphore(%run_scoped3A : memref<!tpu.dma_semaphore, #tpu.memory_space<semaphore_mem>>) src(%arg8 : memref<64x1024xf32, #tpu.memory_space<vmem>>) dst(%dma_wait3A_20 : memref<64x1024xf32, #tpu.memory_space<hbm>>)
      tpu.yield
    }) : () -> ()
    return
  }
}

#map = affine_map<(d0, d1) -> (0, 0)>
#map1 = affine_map<(d0, d1) -> (0)>
module attributes {stable_mosaic.version = 14 : i64} {
  func.func @body(%arg0: i32, %arg1: i32, %arg2: memref<2048x1024xf32, #tpu.memory_space<hbm>>, %arg3: memref<2048xi32, #tpu.memory_space<hbm>>, %arg4: memref<2048xi32, #tpu.memory_space<hbm>>, %arg5: memref<8192x1024xf32, #tpu.memory_space<hbm>>, %arg6: memref<64xi32, #tpu.memory_space<vmem>>, %arg7: memref<64xi32, #tpu.memory_space<vmem>>, %arg8: memref<64x1024xf32, #tpu.memory_space<vmem>>, %arg9: memref<!tpu.dma_semaphore, #tpu.memory_space<semaphore_mem>>) attributes {dimension_semantics = [#tpu.dimension_semantics<core_parallel>, #tpu.dimension_semantics<subcore_parallel>], iteration_bounds = array<i64: 2, 16>, scalar_prefetch = 0 : i64, scratch_operands = 4 : i64, tpu.core_type = #tpu.core_type<sc_vector_subcore>, window_params = [{transform_indices = #map}, {transform_indices = #map1}, {transform_indices = #map1}, {transform_indices = #map}]} {
    %mul3A = arith.constant 2 : i32
    %mul3A_0 = arith.muli %arg1, %mul3A : i32
    %add3A = arith.addi %mul3A_0, %arg0 : i32
    %mul3A_1 = arith.constant 64 : i32
    %mul3A_2 = arith.muli %add3A, %mul3A_1 : i32
    "tpu.region"() ({
      %run_scoped3A = tpu.sem_alloc : memref<!tpu.dma_semaphore, #tpu.memory_space<semaphore_mem>>
      %dma_start3A_13 = tpu.memref_slice %arg3[%mul3A_2] : memref<2048xi32, #tpu.memory_space<hbm>> -> memref<64xi32, #tpu.memory_space<hbm>>
      %dma_start3A_14 = tpu.memref_slice %arg3[%mul3A_2] : memref<2048xi32, #tpu.memory_space<hbm>> -> memref<64xi32, #tpu.memory_space<hbm>>
      tpu.enqueue_dma source(%dma_start3A_14 : memref<64xi32, #tpu.memory_space<hbm>>) target(%arg6 : memref<64xi32, #tpu.memory_space<vmem>>) target_semaphore(%run_scoped3A : memref<!tpu.dma_semaphore, #tpu.memory_space<semaphore_mem>>)
      %dma_wait3A_15 = tpu.memref_slice %arg3[%mul3A_2] : memref<2048xi32, #tpu.memory_space<hbm>> -> memref<64xi32, #tpu.memory_space<hbm>>
      %dma_wait3A_16 = tpu.memref_slice %arg3[%mul3A_2] : memref<2048xi32, #tpu.memory_space<hbm>> -> memref<64xi32, #tpu.memory_space<hbm>>
      tpu.wait_dma2 semaphore(%run_scoped3A : memref<!tpu.dma_semaphore, #tpu.memory_space<semaphore_mem>>) src(%dma_wait3A_16 : memref<64xi32, #tpu.memory_space<hbm>>) dst(%arg6 : memref<64xi32, #tpu.memory_space<vmem>>)
      tpu.yield
    }) : () -> ()
    "tpu.region"() ({
      %run_scoped3A = tpu.sem_alloc : memref<!tpu.dma_semaphore, #tpu.memory_space<semaphore_mem>>
      %dma_start3A_13 = tpu.memref_slice %arg4[%mul3A_2] : memref<2048xi32, #tpu.memory_space<hbm>> -> memref<64xi32, #tpu.memory_space<hbm>>
      %dma_start3A_14 = tpu.memref_slice %arg4[%mul3A_2] : memref<2048xi32, #tpu.memory_space<hbm>> -> memref<64xi32, #tpu.memory_space<hbm>>
      tpu.enqueue_dma source(%dma_start3A_14 : memref<64xi32, #tpu.memory_space<hbm>>) target(%arg7 : memref<64xi32, #tpu.memory_space<vmem>>) target_semaphore(%run_scoped3A : memref<!tpu.dma_semaphore, #tpu.memory_space<semaphore_mem>>)
      %dma_wait3A_15 = tpu.memref_slice %arg4[%mul3A_2] : memref<2048xi32, #tpu.memory_space<hbm>> -> memref<64xi32, #tpu.memory_space<hbm>>
      %dma_wait3A_16 = tpu.memref_slice %arg4[%mul3A_2] : memref<2048xi32, #tpu.memory_space<hbm>> -> memref<64xi32, #tpu.memory_space<hbm>>
      tpu.wait_dma2 semaphore(%run_scoped3A : memref<!tpu.dma_semaphore, #tpu.memory_space<semaphore_mem>>) src(%dma_wait3A_16 : memref<64xi32, #tpu.memory_space<hbm>>) dst(%arg7 : memref<64xi32, #tpu.memory_space<vmem>>)
      tpu.yield
    }) : () -> ()
    "tpu.region"() ({
      %run_scoped3A = tpu.sem_alloc : memref<!tpu.dma_semaphore, #tpu.memory_space<semaphore_mem>>
      %dma_start3A_13 = arith.constant 0 : i32
      %dma_start3A_14 = tpu.memref_slice %arg2[%mul3A_2, %dma_start3A_13] : memref<2048x1024xf32, #tpu.memory_space<hbm>> -> memref<64x1024xf32, #tpu.memory_space<hbm>>
      %dma_start3A_15 = arith.constant 0 : i32
      %dma_start3A_16 = tpu.memref_slice %arg2[%mul3A_2, %dma_start3A_15] : memref<2048x1024xf32, #tpu.memory_space<hbm>> -> memref<64x1024xf32, #tpu.memory_space<hbm>>
      tpu.enqueue_dma source(%dma_start3A_16 : memref<64x1024xf32, #tpu.memory_space<hbm>>) target(%arg8 : memref<64x1024xf32, #tpu.memory_space<vmem>>) target_semaphore(%run_scoped3A : memref<!tpu.dma_semaphore, #tpu.memory_space<semaphore_mem>>)
      %dma_wait3A_17 = arith.constant 0 : i32
      %dma_wait3A_18 = tpu.memref_slice %arg2[%mul3A_2, %dma_wait3A_17] : memref<2048x1024xf32, #tpu.memory_space<hbm>> -> memref<64x1024xf32, #tpu.memory_space<hbm>>
      %dma_wait3A_19 = arith.constant 0 : i32
      %dma_wait3A_20 = tpu.memref_slice %arg2[%mul3A_2, %dma_wait3A_19] : memref<2048x1024xf32, #tpu.memory_space<hbm>> -> memref<64x1024xf32, #tpu.memory_space<hbm>>
      tpu.wait_dma2 semaphore(%run_scoped3A : memref<!tpu.dma_semaphore, #tpu.memory_space<semaphore_mem>>) src(%dma_wait3A_20 : memref<64x1024xf32, #tpu.memory_space<hbm>>) dst(%arg8 : memref<64x1024xf32, #tpu.memory_space<vmem>>)
      tpu.yield
    }) : () -> ()
    %dma_start3A = arith.constant 0 : i32
    %dma_start3A_3 = arith.constant 0 : i32
    %dma_start3A_4 = tpu.memref_slice %arg5[%dma_start3A, %dma_start3A_3] : memref<8192x1024xf32, #tpu.memory_space<hbm>> -> memref<8192x1024xf32, #tpu.memory_space<hbm>>
    tpu.enqueue_indirect_dma source(%arg8 : memref<64x1024xf32, #tpu.memory_space<vmem>>) target(%dma_start3A_4 : memref<8192x1024xf32, #tpu.memory_space<hbm>>) offsets(%arg6 : memref<64xi32, #tpu.memory_space<vmem>>) semaphore(%arg9 : memref<!tpu.dma_semaphore, #tpu.memory_space<semaphore_mem>>)
    %dma_wait3A = arith.constant 0 : i32
    %dma_wait3A_5 = arith.constant 0 : i32
    %dma_wait3A_6 = tpu.memref_slice %arg5[%dma_wait3A, %dma_wait3A_5] : memref<8192x1024xf32, #tpu.memory_space<hbm>> -> memref<8192x1024xf32, #tpu.memory_space<hbm>>
    tpu.wait_indirect_dma semaphore(%arg9 : memref<!tpu.dma_semaphore, #tpu.memory_space<semaphore_mem>>) src(%arg8 : memref<64x1024xf32, #tpu.memory_space<vmem>>) dst(%dma_wait3A_6 : memref<8192x1024xf32, #tpu.memory_space<hbm>>)
    %dma_start3A_7 = arith.constant 0 : i32
    %dma_start3A_8 = arith.constant 0 : i32
    %dma_start3A_9 = tpu.memref_slice %arg5[%dma_start3A_7, %dma_start3A_8] : memref<8192x1024xf32, #tpu.memory_space<hbm>> -> memref<8192x1024xf32, #tpu.memory_space<hbm>>
    tpu.enqueue_indirect_dma source(%arg8 : memref<64x1024xf32, #tpu.memory_space<vmem>>) target(%dma_start3A_9 : memref<8192x1024xf32, #tpu.memory_space<hbm>>) offsets(%arg7 : memref<64xi32, #tpu.memory_space<vmem>>) semaphore(%arg9 : memref<!tpu.dma_semaphore, #tpu.memory_space<semaphore_mem>>)
    %dma_wait3A_10 = arith.constant 0 : i32
    %dma_wait3A_11 = arith.constant 0 : i32
    %dma_wait3A_12 = tpu.memref_slice %arg5[%dma_wait3A_10, %dma_wait3A_11] : memref<8192x1024xf32, #tpu.memory_space<hbm>> -> memref<8192x1024xf32, #tpu.memory_space<hbm>>
    tpu.wait_indirect_dma semaphore(%arg9 : memref<!tpu.dma_semaphore, #tpu.memory_space<semaphore_mem>>) src(%arg8 : memref<64x1024xf32, #tpu.memory_space<vmem>>) dst(%dma_wait3A_12 : memref<8192x1024xf32, #tpu.memory_space<hbm>>)
    return
  }
}

module attributes {stable_mosaic.version = 14 : i64} {
  func.func @_shared_body(%arg0: i32, %arg1: memref<256x1024xf32, #tpu.memory_space<vmem>>, %arg2: memref<1024x512xf32, #tpu.memory_space<vmem>>, %arg3: memref<1024x512xf32, #tpu.memory_space<vmem>>, %arg4: memref<512x1024xf32, #tpu.memory_space<vmem>>, %arg5: memref<256x1024xf32, #tpu.memory_space<vmem>>) attributes {dimension_semantics = [#tpu.dimension_semantics<arbitrary>], iteration_bounds = array<i64: 4>, scalar_prefetch = 0 : i64, scratch_operands = 0 : i64, tpu.core_type = #tpu.core_type<tc>, window_params = [{transform_indices = @transform_0, window_bounds = array<i64: 256, 1024>}, {pipeline_mode = #tpu.pipeline_mode<synchronous>, transform_indices = @transform_1, window_bounds = array<i64: 1024, 512>}, {pipeline_mode = #tpu.pipeline_mode<synchronous>, transform_indices = @transform_2, window_bounds = array<i64: 1024, 512>}, {pipeline_mode = #tpu.pipeline_mode<synchronous>, transform_indices = @transform_3, window_bounds = array<i64: 512, 1024>}, {transform_indices = @transform_4, window_bounds = array<i64: 256, 1024>}]} {
    %get3A = arith.constant 0 : index
    %get3A_0 = arith.constant 0 : index
    %get3A_1 = vector.load %arg1[%get3A, %get3A_0] : memref<256x1024xf32, #tpu.memory_space<vmem>>, vector<256x1024xf32>
    %get3A_2 = arith.constant 0 : index
    %get3A_3 = arith.constant 0 : index
    %get3A_4 = vector.load %arg2[%get3A_2, %get3A_3] : memref<1024x512xf32, #tpu.memory_space<vmem>>, vector<1024x512xf32>
    %dot_general3A = arith.constant dense<0.000000e+00> : vector<256x512xf32>
    %dot_general3A_5 = tpu.matmul %get3A_1, %get3A_4, %dot_general3A {dimension_numbers = #tpu.dot_dimension_numbers<[1], [0], [0], [1], [0, 0, 1, 1], [], []>, transpose_lhs_hint = false} : vector<256x1024xf32>, vector<1024x512xf32>, vector<256x512xf32> -> vector<256x512xf32>
    %get3A_6 = arith.constant 0 : index
    %get3A_7 = arith.constant 0 : index
    %get3A_8 = vector.load %arg3[%get3A_6, %get3A_7] : memref<1024x512xf32, #tpu.memory_space<vmem>>, vector<1024x512xf32>
    %dot_general3A_9 = arith.constant dense<0.000000e+00> : vector<256x512xf32>
    %dot_general3A_10 = tpu.matmul %get3A_1, %get3A_8, %dot_general3A_9 {dimension_numbers = #tpu.dot_dimension_numbers<[1], [0], [0], [1], [0, 0, 1, 1], [], []>, transpose_lhs_hint = false} : vector<256x1024xf32>, vector<1024x512xf32>, vector<256x512xf32> -> vector<256x512xf32>
    %logistic3A = arith.negf %dot_general3A_5 : vector<256x512xf32>
    %logistic3A_11 = math.exp %logistic3A : vector<256x512xf32>
    %logistic3A_12 = arith.constant 1.000000e+00 : f32
    %logistic3A_13 = vector.broadcast %logistic3A_12 : f32 to vector<256x512xf32>
    %logistic3A_14 = arith.addf %logistic3A_13, %logistic3A_11 : vector<256x512xf32>
    %logistic3A_15 = arith.divf %logistic3A_13, %logistic3A_14 : vector<256x512xf32>
    %mul3A = arith.mulf %dot_general3A_5, %logistic3A_15 : vector<256x512xf32>
    %mul3A_16 = arith.mulf %mul3A, %dot_general3A_10 : vector<256x512xf32>
    %get3A_17 = arith.constant 0 : index
    %get3A_18 = arith.constant 0 : index
    %get3A_19 = vector.load %arg4[%get3A_17, %get3A_18] : memref<512x1024xf32, #tpu.memory_space<vmem>>, vector<512x1024xf32>
    %dot_general3A_20 = arith.constant dense<0.000000e+00> : vector<256x1024xf32>
    %dot_general3A_21 = tpu.matmul %mul3A_16, %get3A_19, %dot_general3A_20 {dimension_numbers = #tpu.dot_dimension_numbers<[1], [0], [0], [1], [0, 0, 1, 1], [], []>, transpose_lhs_hint = false} : vector<256x512xf32>, vector<512x1024xf32>, vector<256x1024xf32> -> vector<256x1024xf32>
    %swap3A = arith.constant 0 : index
    %swap3A_22 = arith.constant 0 : index
    %swap3A_23 = vector.load %arg5[%swap3A, %swap3A_22] : memref<256x1024xf32, #tpu.memory_space<vmem>>, vector<256x1024xf32>
    tpu.vector_store %arg5[%swap3A, %swap3A_22], %dot_general3A_21 {strides = array<i32>} : memref<256x1024xf32, #tpu.memory_space<vmem>>, vector<256x1024xf32>,
    return
  }
  func.func @transform_0(%arg0: i32) -> (i32, i32) {
    %add3A = arith.constant 4 : i32
    %add3A_0 = arith.addi %add3A, %arg0 : i32
    %c0_i32 = arith.constant 0 : i32
    %c0_i32_1 = arith.constant 0 : i32
    return %add3A_0, %c0_i32 : i32, i32
  }
  func.func @transform_1(%arg0: i32) -> (i32, i32) {
    %c0_i32 = arith.constant 0 : i32
    %c0_i32_0 = arith.constant 0 : i32
    %c0_i32_1 = arith.constant 0 : i32
    return %c0_i32, %c0_i32_0 : i32, i32
  }
  func.func @transform_2(%arg0: i32) -> (i32, i32) {
    %c0_i32 = arith.constant 0 : i32
    %c0_i32_0 = arith.constant 0 : i32
    %c0_i32_1 = arith.constant 0 : i32
    return %c0_i32, %c0_i32_0 : i32, i32
  }
  func.func @transform_3(%arg0: i32) -> (i32, i32) {
    %c0_i32 = arith.constant 0 : i32
    %c0_i32_0 = arith.constant 0 : i32
    %c0_i32_1 = arith.constant 0 : i32
    return %c0_i32, %c0_i32_0 : i32, i32
  }
  func.func @transform_4(%arg0: i32) -> (i32, i32) {
    %c0_i32 = arith.constant 0 : i32
    %c0_i32_0 = arith.constant 0 : i32
    return %arg0, %c0_i32 : i32, i32
  }
}

module attributes {stable_mosaic.version = 14 : i64} {
  func.func @_router_body(%arg0: memref<2048x1024xf32, #tpu.memory_space<vmem>>, %arg1: memref<1x1024xf32, #tpu.memory_space<vmem>>, %arg2: memref<8x1024xf32, #tpu.memory_space<vmem>>, %arg3: memref<1x8xf32, #tpu.memory_space<vmem>>, %arg4: memref<2048x1024xf32, #tpu.memory_space<vmem>>, %arg5: memref<2048x8xf32, #tpu.memory_space<vmem>>, %arg6: memref<8x16xi32, #tpu.memory_space<vmem>>) attributes {dimension_semantics = [], scalar_prefetch = 0 : i64, scratch_operands = 0 : i64, tpu.core_type = #tpu.core_type<tc>} {
    %get3A = arith.constant 0 : index
    %get3A_0 = arith.constant 0 : index
    %get3A_1 = vector.load %arg0[%get3A, %get3A_0] : memref<2048x1024xf32, #tpu.memory_space<vmem>>, vector<2048x1024xf32>
    %mul3A = arith.mulf %get3A_1, %get3A_1 : vector<2048x1024xf32>
    %reduce_sum3A = arith.constant dense<0.000000e+00> : vector<2048xf32>
    %reduce_sum3A_2 = vector.multi_reduction <add>, %mul3A, %reduce_sum3A [1] : vector<2048x1024xf32> to vector<2048xf32>
    %broadcast_in_dim3A = vector.shape_cast %reduce_sum3A_2 : vector<2048xf32> to vector<2048x1xf32>
    %div3A = arith.constant 1.024000e+03 : f32
    %div3A_3 = vector.broadcast %div3A : f32 to vector<2048x1xf32>
    %div3A_4 = arith.divf %broadcast_in_dim3A, %div3A_3 : vector<2048x1xf32>
    %add3A = arith.constant 9.99999997E-7 : f32
    %add3A_5 = vector.broadcast %add3A : f32 to vector<2048x1xf32>
    %add3A_6 = arith.addf %div3A_4, %add3A_5 : vector<2048x1xf32>
    %rsqrt3A = math.rsqrt %add3A_6 : vector<2048x1xf32>
    %mul3A_7 = vector.broadcast %rsqrt3A : vector<2048x1xf32> to vector<2048x1024xf32>
    %mul3A_8 = arith.mulf %get3A_1, %mul3A_7 : vector<2048x1024xf32>
    %get3A_9 = arith.constant 0 : index
    %get3A_10 = arith.constant 0 : index
    %get3A_11 = vector.load %arg1[%get3A_9, %get3A_10] : memref<1x1024xf32, #tpu.memory_space<vmem>>, vector<1x1024xf32>
    %mul3A_12 = vector.broadcast %get3A_11 : vector<1x1024xf32> to vector<2048x1024xf32>
    %mul3A_13 = arith.mulf %mul3A_8, %mul3A_12 : vector<2048x1024xf32>
    %swap3A = arith.constant 0 : index
    %swap3A_14 = arith.constant 0 : index
    %swap3A_15 = vector.load %arg4[%swap3A, %swap3A_14] : memref<2048x1024xf32, #tpu.memory_space<vmem>>, vector<2048x1024xf32>
    tpu.vector_store %arg4[%swap3A, %swap3A_14], %mul3A_13 {strides = array<i32>} : memref<2048x1024xf32, #tpu.memory_space<vmem>>, vector<2048x1024xf32>,
    %get3A_16 = arith.constant 0 : index
    %get3A_17 = arith.constant 0 : index
    %get3A_18 = vector.load %arg2[%get3A_16, %get3A_17] : memref<8x1024xf32, #tpu.memory_space<vmem>>, vector<8x1024xf32>
    %dot_general3A = arith.constant dense<0.000000e+00> : vector<2048x8xf32>
    %dot_general3A_19 = tpu.matmul %mul3A_13, %get3A_18, %dot_general3A {dimension_numbers = #tpu.dot_dimension_numbers<[1], [1], [0], [0], [0, 0, 1, 0], [], []>, transpose_lhs_hint = false} : vector<2048x1024xf32>, vector<8x1024xf32>, vector<2048x8xf32> -> vector<2048x8xf32>
    %logistic3A = arith.negf %dot_general3A_19 : vector<2048x8xf32>
    %logistic3A_20 = math.exp %logistic3A : vector<2048x8xf32>
    %logistic3A_21 = arith.constant 1.000000e+00 : f32
    %logistic3A_22 = vector.broadcast %logistic3A_21 : f32 to vector<2048x8xf32>
    %logistic3A_23 = arith.addf %logistic3A_22, %logistic3A_20 : vector<2048x8xf32>
    %logistic3A_24 = arith.divf %logistic3A_22, %logistic3A_23 : vector<2048x8xf32>
    %get3A_25 = arith.constant 0 : index
    %get3A_26 = arith.constant 0 : index
    %get3A_27 = vector.load %arg3[%get3A_25, %get3A_26] : memref<1x8xf32, #tpu.memory_space<vmem>>, vector<1x8xf32>
    %add3A_28 = vector.broadcast %get3A_27 : vector<1x8xf32> to vector<2048x8xf32>
    %add3A_29 = arith.addf %logistic3A_24, %add3A_28 : vector<2048x8xf32>
    %iota3A = tpu.iota {dimensions = array<i32: 1>} : vector<2048x8xi32>
    %reduce_max3A = arith.constant dense<0xFF800000> : vector<2048xf32>
    %reduce_max3A_30 = vector.multi_reduction <maximumf>, %add3A_29, %reduce_max3A [1] : vector<2048x8xf32> to vector<2048xf32>
    %broadcast_in_dim3A_31 = vector.shape_cast %reduce_max3A_30 : vector<2048xf32> to vector<2048x1xf32>
    %eq3A = vector.broadcast %broadcast_in_dim3A_31 : vector<2048x1xf32> to vector<2048x8xf32>
    %eq3A_32 = arith.cmpf oeq, %add3A_29, %eq3A : vector<2048x8xf32>
    %jit3A = arith.constant 8 : i32
    %broadcast_in_dim3A_33 = vector.broadcast %jit3A : i32 to vector<2048x8xi32>
    %select_n3A = arith.select %eq3A_32, %iota3A, %broadcast_in_dim3A_33 : vector<2048x8xi1>, vector<2048x8xi32>
    %reduce_min3A = arith.constant dense<2147483647> : vector<2048xi32>
    %reduce_min3A_34 = vector.multi_reduction <minsi>, %select_n3A, %reduce_min3A [1] : vector<2048x8xi32> to vector<2048xi32>
    %broadcast_in_dim3A_35 = vector.shape_cast %reduce_min3A_34 : vector<2048xi32> to vector<2048x1xi32>
    %eq3A_36 = vector.broadcast %broadcast_in_dim3A_35 : vector<2048x1xi32> to vector<2048x8xi32>
    %eq3A_37 = arith.cmpi eq, %iota3A, %eq3A_36 : vector<2048x8xi32>
    %jit3A_38 = arith.constant 0xFF800000 : f32
    %broadcast_in_dim3A_39 = vector.broadcast %jit3A_38 : f32 to vector<2048x8xf32>
    %select_n3A_40 = arith.select %eq3A_37, %broadcast_in_dim3A_39, %add3A_29 : vector<2048x8xi1>, vector<2048x8xf32>
    %reduce_max3A_41 = arith.constant dense<0xFF800000> : vector<2048xf32>
    %reduce_max3A_42 = vector.multi_reduction <maximumf>, %select_n3A_40, %reduce_max3A_41 [1] : vector<2048x8xf32> to vector<2048xf32>
    %broadcast_in_dim3A_43 = vector.shape_cast %reduce_max3A_42 : vector<2048xf32> to vector<2048x1xf32>
    %eq3A_44 = vector.broadcast %broadcast_in_dim3A_43 : vector<2048x1xf32> to vector<2048x8xf32>
    %eq3A_45 = arith.cmpf oeq, %select_n3A_40, %eq3A_44 : vector<2048x8xf32>
    %jit3A_46 = arith.constant 8 : i32
    %broadcast_in_dim3A_47 = vector.broadcast %jit3A_46 : i32 to vector<2048x8xi32>
    %select_n3A_48 = arith.select %eq3A_45, %iota3A, %broadcast_in_dim3A_47 : vector<2048x8xi1>, vector<2048x8xi32>
    %reduce_min3A_49 = arith.constant dense<2147483647> : vector<2048xi32>
    %reduce_min3A_50 = vector.multi_reduction <minsi>, %select_n3A_48, %reduce_min3A_49 [1] : vector<2048x8xi32> to vector<2048xi32>
    %broadcast_in_dim3A_51 = vector.shape_cast %reduce_min3A_50 : vector<2048xi32> to vector<2048x1xi32>
    %eq3A_52 = vector.broadcast %broadcast_in_dim3A_35 : vector<2048x1xi32> to vector<2048x8xi32>
    %eq3A_53 = arith.cmpi eq, %iota3A, %eq3A_52 : vector<2048x8xi32>
    %eq3A_54 = vector.broadcast %broadcast_in_dim3A_51 : vector<2048x1xi32> to vector<2048x8xi32>
    %eq3A_55 = arith.cmpi eq, %iota3A, %eq3A_54 : vector<2048x8xi32>
    %jit3A_56 = arith.constant 0.000000e+00 : f32
    %broadcast_in_dim3A_57 = vector.broadcast %jit3A_56 : f32 to vector<2048x8xf32>
    %select_n3A_58 = arith.select %eq3A_53, %logistic3A_24, %broadcast_in_dim3A_57 : vector<2048x8xi1>, vector<2048x8xf32>
    %reduce_sum3A_59 = arith.constant dense<0.000000e+00> : vector<2048xf32>
    %reduce_sum3A_60 = vector.multi_reduction <add>, %select_n3A_58, %reduce_sum3A_59 [1] : vector<2048x8xf32> to vector<2048xf32>
    %broadcast_in_dim3A_61 = vector.shape_cast %reduce_sum3A_60 : vector<2048xf32> to vector<2048x1xf32>
    %jit3A_62 = arith.constant 0.000000e+00 : f32
    %broadcast_in_dim3A_63 = vector.broadcast %jit3A_62 : f32 to vector<2048x8xf32>
    %select_n3A_64 = arith.select %eq3A_55, %logistic3A_24, %broadcast_in_dim3A_63 : vector<2048x8xi1>, vector<2048x8xf32>
    %reduce_sum3A_65 = arith.constant dense<0.000000e+00> : vector<2048xf32>
    %reduce_sum3A_66 = vector.multi_reduction <add>, %select_n3A_64, %reduce_sum3A_65 [1] : vector<2048x8xf32> to vector<2048xf32>
    %broadcast_in_dim3A_67 = vector.shape_cast %reduce_sum3A_66 : vector<2048xf32> to vector<2048x1xf32>
    %add3A_68 = arith.addf %broadcast_in_dim3A_61, %broadcast_in_dim3A_67 : vector<2048x1xf32>
    %add3A_69 = arith.constant 9.99999968E-21 : f32
    %add3A_70 = vector.broadcast %add3A_69 : f32 to vector<2048x1xf32>
    %add3A_71 = arith.addf %add3A_68, %add3A_70 : vector<2048x1xf32>
    %div3A_72 = arith.divf %broadcast_in_dim3A_61, %add3A_71 : vector<2048x1xf32>
    %div3A_73 = arith.divf %broadcast_in_dim3A_67, %add3A_71 : vector<2048x1xf32>
    %or3A = arith.ori %eq3A_53, %eq3A_55 : vector<2048x8xi1>
    %convert_element_type3A = arith.extui %or3A : vector<2048x8xi1> to vector<2048x8xi32>
    %convert_element_type3A_74 = arith.sitofp %convert_element_type3A : vector<2048x8xi32> to vector<2048x8xf32>
    %convert_element_type3A_75 = arith.truncf %convert_element_type3A_74 : vector<2048x8xf32> to vector<2048x8xbf16>
    %iota3A_76 = tpu.iota {dimensions = array<i32: 0>} : vector<128x128xi32>
    %iota3A_77 = tpu.iota {dimensions = array<i32: 1>} : vector<128x128xi32>
    %lt3A = arith.cmpi slt, %iota3A_77, %iota3A_76 : vector<128x128xi32>
    %convert_element_type3A_78 = arith.extui %lt3A : vector<128x128xi1> to vector<128x128xi32>
    %convert_element_type3A_79 = arith.sitofp %convert_element_type3A_78 : vector<128x128xi32> to vector<128x128xf32>
    %convert_element_type3A_80 = arith.truncf %convert_element_type3A_79 : vector<128x128xf32> to vector<128x128xbf16>
    %broadcast_in_dim3A_81 = arith.constant 0.000000e+00 : f32
    %broadcast_in_dim3A_82 = vector.broadcast %broadcast_in_dim3A_81 : f32 to vector<1x8xf32>
    %slice3A = vector.extract_strided_slice %convert_element_type3A_75 {offsets = [0, 0], sizes = [128, 8], strides = [1, 1]} : vector<2048x8xbf16> to vector<128x8xbf16>
    %dot_general3A_83 = arith.constant dense<0.000000e+00> : vector<128x8xf32>
    %dot_general3A_84 = tpu.matmul %convert_element_type3A_80, %slice3A, %dot_general3A_83 {dimension_numbers = #tpu.dot_dimension_numbers<[1], [0], [0], [1], [0, 0, 1, 1], [], []>, transpose_lhs_hint = false} : vector<128x128xbf16>, vector<128x8xbf16>, vector<128x8xf32> -> vector<128x8xf32>
    %add3A_85 = vector.broadcast %broadcast_in_dim3A_82 : vector<1x8xf32> to vector<128x8xf32>
    %add3A_86 = arith.addf %dot_general3A_84, %add3A_85 : vector<128x8xf32>
    %convert_element_type3A_87 = arith.extf %slice3A : vector<128x8xbf16> to vector<128x8xf32>
    %reduce_sum3A_88 = arith.constant dense<0.000000e+00> : vector<8xf32>
    %reduce_sum3A_89 = vector.multi_reduction <add>, %convert_element_type3A_87, %reduce_sum3A_88 [0] : vector<128x8xf32> to vector<8xf32>
    %broadcast_in_dim3A_90 = vector.shape_cast %reduce_sum3A_89 : vector<8xf32> to vector<1x8xf32>
    %add3A_91 = arith.addf %broadcast_in_dim3A_82, %broadcast_in_dim3A_90 : vector<1x8xf32>
    %slice3A_92 = vector.extract_strided_slice %convert_element_type3A_75 {offsets = [128, 0], sizes = [128, 8], strides = [1, 1]} : vector<2048x8xbf16> to vector<128x8xbf16>
    %dot_general3A_93 = arith.constant dense<0.000000e+00> : vector<128x8xf32>
    %dot_general3A_94 = tpu.matmul %convert_element_type3A_80, %slice3A_92, %dot_general3A_93 {dimension_numbers = #tpu.dot_dimension_numbers<[1], [0], [0], [1], [0, 0, 1, 1], [], []>, transpose_lhs_hint = false} : vector<128x128xbf16>, vector<128x8xbf16>, vector<128x8xf32> -> vector<128x8xf32>
    %add3A_95 = vector.broadcast %add3A_91 : vector<1x8xf32> to vector<128x8xf32>
    %add3A_96 = arith.addf %dot_general3A_94, %add3A_95 : vector<128x8xf32>
    %convert_element_type3A_97 = arith.extf %slice3A_92 : vector<128x8xbf16> to vector<128x8xf32>
    %reduce_sum3A_98 = arith.constant dense<0.000000e+00> : vector<8xf32>
    %reduce_sum3A_99 = vector.multi_reduction <add>, %convert_element_type3A_97, %reduce_sum3A_98 [0] : vector<128x8xf32> to vector<8xf32>
    %broadcast_in_dim3A_100 = vector.shape_cast %reduce_sum3A_99 : vector<8xf32> to vector<1x8xf32>
    %add3A_101 = arith.addf %add3A_91, %broadcast_in_dim3A_100 : vector<1x8xf32>
    %slice3A_102 = vector.extract_strided_slice %convert_element_type3A_75 {offsets = [256, 0], sizes = [128, 8], strides = [1, 1]} : vector<2048x8xbf16> to vector<128x8xbf16>
    %dot_general3A_103 = arith.constant dense<0.000000e+00> : vector<128x8xf32>
    %dot_general3A_104 = tpu.matmul %convert_element_type3A_80, %slice3A_102, %dot_general3A_103 {dimension_numbers = #tpu.dot_dimension_numbers<[1], [0], [0], [1], [0, 0, 1, 1], [], []>, transpose_lhs_hint = false} : vector<128x128xbf16>, vector<128x8xbf16>, vector<128x8xf32> -> vector<128x8xf32>
    %add3A_105 = vector.broadcast %add3A_101 : vector<1x8xf32> to vector<128x8xf32>
    %add3A_106 = arith.addf %dot_general3A_104, %add3A_105 : vector<128x8xf32>
    %convert_element_type3A_107 = arith.extf %slice3A_102 : vector<128x8xbf16> to vector<128x8xf32>
    %reduce_sum3A_108 = arith.constant dense<0.000000e+00> : vector<8xf32>
    %reduce_sum3A_109 = vector.multi_reduction <add>, %convert_element_type3A_107, %reduce_sum3A_108 [0] : vector<128x8xf32> to vector<8xf32>
    %broadcast_in_dim3A_110 = vector.shape_cast %reduce_sum3A_109 : vector<8xf32> to vector<1x8xf32>
    %add3A_111 = arith.addf %add3A_101, %broadcast_in_dim3A_110 : vector<1x8xf32>
    %slice3A_112 = vector.extract_strided_slice %convert_element_type3A_75 {offsets = [384, 0], sizes = [128, 8], strides = [1, 1]} : vector<2048x8xbf16> to vector<128x8xbf16>
    %dot_general3A_113 = arith.constant dense<0.000000e+00> : vector<128x8xf32>
    %dot_general3A_114 = tpu.matmul %convert_element_type3A_80, %slice3A_112, %dot_general3A_113 {dimension_numbers = #tpu.dot_dimension_numbers<[1], [0], [0], [1], [0, 0, 1, 1], [], []>, transpose_lhs_hint = false} : vector<128x128xbf16>, vector<128x8xbf16>, vector<128x8xf32> -> vector<128x8xf32>
    %add3A_115 = vector.broadcast %add3A_111 : vector<1x8xf32> to vector<128x8xf32>
    %add3A_116 = arith.addf %dot_general3A_114, %add3A_115 : vector<128x8xf32>
    %convert_element_type3A_117 = arith.extf %slice3A_112 : vector<128x8xbf16> to vector<128x8xf32>
    %reduce_sum3A_118 = arith.constant dense<0.000000e+00> : vector<8xf32>
    %reduce_sum3A_119 = vector.multi_reduction <add>, %convert_element_type3A_117, %reduce_sum3A_118 [0] : vector<128x8xf32> to vector<8xf32>
    %broadcast_in_dim3A_120 = vector.shape_cast %reduce_sum3A_119 : vector<8xf32> to vector<1x8xf32>
    %add3A_121 = arith.addf %add3A_111, %broadcast_in_dim3A_120 : vector<1x8xf32>
    %slice3A_122 = vector.extract_strided_slice %convert_element_type3A_75 {offsets = [512, 0], sizes = [128, 8], strides = [1, 1]} : vector<2048x8xbf16> to vector<128x8xbf16>
    %dot_general3A_123 = arith.constant dense<0.000000e+00> : vector<128x8xf32>
    %dot_general3A_124 = tpu.matmul %convert_element_type3A_80, %slice3A_122, %dot_general3A_123 {dimension_numbers = #tpu.dot_dimension_numbers<[1], [0], [0], [1], [0, 0, 1, 1], [], []>, transpose_lhs_hint = false} : vector<128x128xbf16>, vector<128x8xbf16>, vector<128x8xf32> -> vector<128x8xf32>
    %add3A_125 = vector.broadcast %add3A_121 : vector<1x8xf32> to vector<128x8xf32>
    %add3A_126 = arith.addf %dot_general3A_124, %add3A_125 : vector<128x8xf32>
    %convert_element_type3A_127 = arith.extf %slice3A_122 : vector<128x8xbf16> to vector<128x8xf32>
    %reduce_sum3A_128 = arith.constant dense<0.000000e+00> : vector<8xf32>
    %reduce_sum3A_129 = vector.multi_reduction <add>, %convert_element_type3A_127, %reduce_sum3A_128 [0] : vector<128x8xf32> to vector<8xf32>
    %broadcast_in_dim3A_130 = vector.shape_cast %reduce_sum3A_129 : vector<8xf32> to vector<1x8xf32>
    %add3A_131 = arith.addf %add3A_121, %broadcast_in_dim3A_130 : vector<1x8xf32>
    %slice3A_132 = vector.extract_strided_slice %convert_element_type3A_75 {offsets = [640, 0], sizes = [128, 8], strides = [1, 1]} : vector<2048x8xbf16> to vector<128x8xbf16>
    %dot_general3A_133 = arith.constant dense<0.000000e+00> : vector<128x8xf32>
    %dot_general3A_134 = tpu.matmul %convert_element_type3A_80, %slice3A_132, %dot_general3A_133 {dimension_numbers = #tpu.dot_dimension_numbers<[1], [0], [0], [1], [0, 0, 1, 1], [], []>, transpose_lhs_hint = false} : vector<128x128xbf16>, vector<128x8xbf16>, vector<128x8xf32> -> vector<128x8xf32>
    %add3A_135 = vector.broadcast %add3A_131 : vector<1x8xf32> to vector<128x8xf32>
    %add3A_136 = arith.addf %dot_general3A_134, %add3A_135 : vector<128x8xf32>
    %convert_element_type3A_137 = arith.extf %slice3A_132 : vector<128x8xbf16> to vector<128x8xf32>
    %reduce_sum3A_138 = arith.constant dense<0.000000e+00> : vector<8xf32>
    %reduce_sum3A_139 = vector.multi_reduction <add>, %convert_element_type3A_137, %reduce_sum3A_138 [0] : vector<128x8xf32> to vector<8xf32>
    %broadcast_in_dim3A_140 = vector.shape_cast %reduce_sum3A_139 : vector<8xf32> to vector<1x8xf32>
    %add3A_141 = arith.addf %add3A_131, %broadcast_in_dim3A_140 : vector<1x8xf32>
    %slice3A_142 = vector.extract_strided_slice %convert_element_type3A_75 {offsets = [768, 0], sizes = [128, 8], strides = [1, 1]} : vector<2048x8xbf16> to vector<128x8xbf16>
    %dot_general3A_143 = arith.constant dense<0.000000e+00> : vector<128x8xf32>
    %dot_general3A_144 = tpu.matmul %convert_element_type3A_80, %slice3A_142, %dot_general3A_143 {dimension_numbers = #tpu.dot_dimension_numbers<[1], [0], [0], [1], [0, 0, 1, 1], [], []>, transpose_lhs_hint = false} : vector<128x128xbf16>, vector<128x8xbf16>, vector<128x8xf32> -> vector<128x8xf32>
    %add3A_145 = vector.broadcast %add3A_141 : vector<1x8xf32> to vector<128x8xf32>
    %add3A_146 = arith.addf %dot_general3A_144, %add3A_145 : vector<128x8xf32>
    %convert_element_type3A_147 = arith.extf %slice3A_142 : vector<128x8xbf16> to vector<128x8xf32>
    %reduce_sum3A_148 = arith.constant dense<0.000000e+00> : vector<8xf32>
    %reduce_sum3A_149 = vector.multi_reduction <add>, %convert_element_type3A_147, %reduce_sum3A_148 [0] : vector<128x8xf32> to vector<8xf32>
    %broadcast_in_dim3A_150 = vector.shape_cast %reduce_sum3A_149 : vector<8xf32> to vector<1x8xf32>
    %add3A_151 = arith.addf %add3A_141, %broadcast_in_dim3A_150 : vector<1x8xf32>
    %slice3A_152 = vector.extract_strided_slice %convert_element_type3A_75 {offsets = [896, 0], sizes = [128, 8], strides = [1, 1]} : vector<2048x8xbf16> to vector<128x8xbf16>
    %dot_general3A_153 = arith.constant dense<0.000000e+00> : vector<128x8xf32>
    %dot_general3A_154 = tpu.matmul %convert_element_type3A_80, %slice3A_152, %dot_general3A_153 {dimension_numbers = #tpu.dot_dimension_numbers<[1], [0], [0], [1], [0, 0, 1, 1], [], []>, transpose_lhs_hint = false} : vector<128x128xbf16>, vector<128x8xbf16>, vector<128x8xf32> -> vector<128x8xf32>
    %add3A_155 = vector.broadcast %add3A_151 : vector<1x8xf32> to vector<128x8xf32>
    %add3A_156 = arith.addf %dot_general3A_154, %add3A_155 : vector<128x8xf32>
    %convert_element_type3A_157 = arith.extf %slice3A_152 : vector<128x8xbf16> to vector<128x8xf32>
    %reduce_sum3A_158 = arith.constant dense<0.000000e+00> : vector<8xf32>
    %reduce_sum3A_159 = vector.multi_reduction <add>, %convert_element_type3A_157, %reduce_sum3A_158 [0] : vector<128x8xf32> to vector<8xf32>
    %broadcast_in_dim3A_160 = vector.shape_cast %reduce_sum3A_159 : vector<8xf32> to vector<1x8xf32>
    %add3A_161 = arith.addf %add3A_151, %broadcast_in_dim3A_160 : vector<1x8xf32>
    %slice3A_162 = vector.extract_strided_slice %convert_element_type3A_75 {offsets = [1024, 0], sizes = [128, 8], strides = [1, 1]} : vector<2048x8xbf16> to vector<128x8xbf16>
    %dot_general3A_163 = arith.constant dense<0.000000e+00> : vector<128x8xf32>
    %dot_general3A_164 = tpu.matmul %convert_element_type3A_80, %slice3A_162, %dot_general3A_163 {dimension_numbers = #tpu.dot_dimension_numbers<[1], [0], [0], [1], [0, 0, 1, 1], [], []>, transpose_lhs_hint = false} : vector<128x128xbf16>, vector<128x8xbf16>, vector<128x8xf32> -> vector<128x8xf32>
    %add3A_165 = vector.broadcast %add3A_161 : vector<1x8xf32> to vector<128x8xf32>
    %add3A_166 = arith.addf %dot_general3A_164, %add3A_165 : vector<128x8xf32>
    %convert_element_type3A_167 = arith.extf %slice3A_162 : vector<128x8xbf16> to vector<128x8xf32>
    %reduce_sum3A_168 = arith.constant dense<0.000000e+00> : vector<8xf32>
    %reduce_sum3A_169 = vector.multi_reduction <add>, %convert_element_type3A_167, %reduce_sum3A_168 [0] : vector<128x8xf32> to vector<8xf32>
    %broadcast_in_dim3A_170 = vector.shape_cast %reduce_sum3A_169 : vector<8xf32> to vector<1x8xf32>
    %add3A_171 = arith.addf %add3A_161, %broadcast_in_dim3A_170 : vector<1x8xf32>
    %slice3A_172 = vector.extract_strided_slice %convert_element_type3A_75 {offsets = [1152, 0], sizes = [128, 8], strides = [1, 1]} : vector<2048x8xbf16> to vector<128x8xbf16>
    %dot_general3A_173 = arith.constant dense<0.000000e+00> : vector<128x8xf32>
    %dot_general3A_174 = tpu.matmul %convert_element_type3A_80, %slice3A_172, %dot_general3A_173 {dimension_numbers = #tpu.dot_dimension_numbers<[1], [0], [0], [1], [0, 0, 1, 1], [], []>, transpose_lhs_hint = false} : vector<128x128xbf16>, vector<128x8xbf16>, vector<128x8xf32> -> vector<128x8xf32>
    %add3A_175 = vector.broadcast %add3A_171 : vector<1x8xf32> to vector<128x8xf32>
    %add3A_176 = arith.addf %dot_general3A_174, %add3A_175 : vector<128x8xf32>
    %convert_element_type3A_177 = arith.extf %slice3A_172 : vector<128x8xbf16> to vector<128x8xf32>
    %reduce_sum3A_178 = arith.constant dense<0.000000e+00> : vector<8xf32>
    %reduce_sum3A_179 = vector.multi_reduction <add>, %convert_element_type3A_177, %reduce_sum3A_178 [0] : vector<128x8xf32> to vector<8xf32>
    %broadcast_in_dim3A_180 = vector.shape_cast %reduce_sum3A_179 : vector<8xf32> to vector<1x8xf32>
    %add3A_181 = arith.addf %add3A_171, %broadcast_in_dim3A_180 : vector<1x8xf32>
    %slice3A_182 = vector.extract_strided_slice %convert_element_type3A_75 {offsets = [1280, 0], sizes = [128, 8], strides = [1, 1]} : vector<2048x8xbf16> to vector<128x8xbf16>
    %dot_general3A_183 = arith.constant dense<0.000000e+00> : vector<128x8xf32>
    %dot_general3A_184 = tpu.matmul %convert_element_type3A_80, %slice3A_182, %dot_general3A_183 {dimension_numbers = #tpu.dot_dimension_numbers<[1], [0], [0], [1], [0, 0, 1, 1], [], []>, transpose_lhs_hint = false} : vector<128x128xbf16>, vector<128x8xbf16>, vector<128x8xf32> -> vector<128x8xf32>
    %add3A_185 = vector.broadcast %add3A_181 : vector<1x8xf32> to vector<128x8xf32>
    %add3A_186 = arith.addf %dot_general3A_184, %add3A_185 : vector<128x8xf32>
    %convert_element_type3A_187 = arith.extf %slice3A_182 : vector<128x8xbf16> to vector<128x8xf32>
    %reduce_sum3A_188 = arith.constant dense<0.000000e+00> : vector<8xf32>
    %reduce_sum3A_189 = vector.multi_reduction <add>, %convert_element_type3A_187, %reduce_sum3A_188 [0] : vector<128x8xf32> to vector<8xf32>
    %broadcast_in_dim3A_190 = vector.shape_cast %reduce_sum3A_189 : vector<8xf32> to vector<1x8xf32>
    %add3A_191 = arith.addf %add3A_181, %broadcast_in_dim3A_190 : vector<1x8xf32>
    %slice3A_192 = vector.extract_strided_slice %convert_element_type3A_75 {offsets = [1408, 0], sizes = [128, 8], strides = [1, 1]} : vector<2048x8xbf16> to vector<128x8xbf16>
    %dot_general3A_193 = arith.constant dense<0.000000e+00> : vector<128x8xf32>
    %dot_general3A_194 = tpu.matmul %convert_element_type3A_80, %slice3A_192, %dot_general3A_193 {dimension_numbers = #tpu.dot_dimension_numbers<[1], [0], [0], [1], [0, 0, 1, 1], [], []>, transpose_lhs_hint = false} : vector<128x128xbf16>, vector<128x8xbf16>, vector<128x8xf32> -> vector<128x8xf32>
    %add3A_195 = vector.broadcast %add3A_191 : vector<1x8xf32> to vector<128x8xf32>
    %add3A_196 = arith.addf %dot_general3A_194, %add3A_195 : vector<128x8xf32>
    %convert_element_type3A_197 = arith.extf %slice3A_192 : vector<128x8xbf16> to vector<128x8xf32>
    %reduce_sum3A_198 = arith.constant dense<0.000000e+00> : vector<8xf32>
    %reduce_sum3A_199 = vector.multi_reduction <add>, %convert_element_type3A_197, %reduce_sum3A_198 [0] : vector<128x8xf32> to vector<8xf32>
    %broadcast_in_dim3A_200 = vector.shape_cast %reduce_sum3A_199 : vector<8xf32> to vector<1x8xf32>
    %add3A_201 = arith.addf %add3A_191, %broadcast_in_dim3A_200 : vector<1x8xf32>
    %slice3A_202 = vector.extract_strided_slice %convert_element_type3A_75 {offsets = [1536, 0], sizes = [128, 8], strides = [1, 1]} : vector<2048x8xbf16> to vector<128x8xbf16>
    %dot_general3A_203 = arith.constant dense<0.000000e+00> : vector<128x8xf32>
    %dot_general3A_204 = tpu.matmul %convert_element_type3A_80, %slice3A_202, %dot_general3A_203 {dimension_numbers = #tpu.dot_dimension_numbers<[1], [0], [0], [1], [0, 0, 1, 1], [], []>, transpose_lhs_hint = false} : vector<128x128xbf16>, vector<128x8xbf16>, vector<128x8xf32> -> vector<128x8xf32>
    %add3A_205 = vector.broadcast %add3A_201 : vector<1x8xf32> to vector<128x8xf32>
    %add3A_206 = arith.addf %dot_general3A_204, %add3A_205 : vector<128x8xf32>
    %convert_element_type3A_207 = arith.extf %slice3A_202 : vector<128x8xbf16> to vector<128x8xf32>
    %reduce_sum3A_208 = arith.constant dense<0.000000e+00> : vector<8xf32>
    %reduce_sum3A_209 = vector.multi_reduction <add>, %convert_element_type3A_207, %reduce_sum3A_208 [0] : vector<128x8xf32> to vector<8xf32>
    %broadcast_in_dim3A_210 = vector.shape_cast %reduce_sum3A_209 : vector<8xf32> to vector<1x8xf32>
    %add3A_211 = arith.addf %add3A_201, %broadcast_in_dim3A_210 : vector<1x8xf32>
    %slice3A_212 = vector.extract_strided_slice %convert_element_type3A_75 {offsets = [1664, 0], sizes = [128, 8], strides = [1, 1]} : vector<2048x8xbf16> to vector<128x8xbf16>
    %dot_general3A_213 = arith.constant dense<0.000000e+00> : vector<128x8xf32>
    %dot_general3A_214 = tpu.matmul %convert_element_type3A_80, %slice3A_212, %dot_general3A_213 {dimension_numbers = #tpu.dot_dimension_numbers<[1], [0], [0], [1], [0, 0, 1, 1], [], []>, transpose_lhs_hint = false} : vector<128x128xbf16>, vector<128x8xbf16>, vector<128x8xf32> -> vector<128x8xf32>
    %add3A_215 = vector.broadcast %add3A_211 : vector<1x8xf32> to vector<128x8xf32>
    %add3A_216 = arith.addf %dot_general3A_214, %add3A_215 : vector<128x8xf32>
    %convert_element_type3A_217 = arith.extf %slice3A_212 : vector<128x8xbf16> to vector<128x8xf32>
    %reduce_sum3A_218 = arith.constant dense<0.000000e+00> : vector<8xf32>
    %reduce_sum3A_219 = vector.multi_reduction <add>, %convert_element_type3A_217, %reduce_sum3A_218 [0] : vector<128x8xf32> to vector<8xf32>
    %broadcast_in_dim3A_220 = vector.shape_cast %reduce_sum3A_219 : vector<8xf32> to vector<1x8xf32>
    %add3A_221 = arith.addf %add3A_211, %broadcast_in_dim3A_220 : vector<1x8xf32>
    %slice3A_222 = vector.extract_strided_slice %convert_element_type3A_75 {offsets = [1792, 0], sizes = [128, 8], strides = [1, 1]} : vector<2048x8xbf16> to vector<128x8xbf16>
    %dot_general3A_223 = arith.constant dense<0.000000e+00> : vector<128x8xf32>
    %dot_general3A_224 = tpu.matmul %convert_element_type3A_80, %slice3A_222, %dot_general3A_223 {dimension_numbers = #tpu.dot_dimension_numbers<[1], [0], [0], [1], [0, 0, 1, 1], [], []>, transpose_lhs_hint = false} : vector<128x128xbf16>, vector<128x8xbf16>, vector<128x8xf32> -> vector<128x8xf32>
    %add3A_225 = vector.broadcast %add3A_221 : vector<1x8xf32> to vector<128x8xf32>
    %add3A_226 = arith.addf %dot_general3A_224, %add3A_225 : vector<128x8xf32>
    %convert_element_type3A_227 = arith.extf %slice3A_222 : vector<128x8xbf16> to vector<128x8xf32>
    %reduce_sum3A_228 = arith.constant dense<0.000000e+00> : vector<8xf32>
    %reduce_sum3A_229 = vector.multi_reduction <add>, %convert_element_type3A_227, %reduce_sum3A_228 [0] : vector<128x8xf32> to vector<8xf32>
    %broadcast_in_dim3A_230 = vector.shape_cast %reduce_sum3A_229 : vector<8xf32> to vector<1x8xf32>
    %add3A_231 = arith.addf %add3A_221, %broadcast_in_dim3A_230 : vector<1x8xf32>
    %slice3A_232 = vector.extract_strided_slice %convert_element_type3A_75 {offsets = [1920, 0], sizes = [128, 8], strides = [1, 1]} : vector<2048x8xbf16> to vector<128x8xbf16>
    %dot_general3A_233 = arith.constant dense<0.000000e+00> : vector<128x8xf32>
    %dot_general3A_234 = tpu.matmul %convert_element_type3A_80, %slice3A_232, %dot_general3A_233 {dimension_numbers = #tpu.dot_dimension_numbers<[1], [0], [0], [1], [0, 0, 1, 1], [], []>, transpose_lhs_hint = false} : vector<128x128xbf16>, vector<128x8xbf16>, vector<128x8xf32> -> vector<128x8xf32>
    %add3A_235 = vector.broadcast %add3A_231 : vector<1x8xf32> to vector<128x8xf32>
    %add3A_236 = arith.addf %dot_general3A_234, %add3A_235 : vector<128x8xf32>
    %convert_element_type3A_237 = arith.extf %slice3A_232 : vector<128x8xbf16> to vector<128x8xf32>
    %reduce_sum3A_238 = arith.constant dense<0.000000e+00> : vector<8xf32>
    %reduce_sum3A_239 = vector.multi_reduction <add>, %convert_element_type3A_237, %reduce_sum3A_238 [0] : vector<128x8xf32> to vector<8xf32>
    %broadcast_in_dim3A_240 = vector.shape_cast %reduce_sum3A_239 : vector<8xf32> to vector<1x8xf32>
    %add3A_241 = arith.addf %add3A_231, %broadcast_in_dim3A_240 : vector<1x8xf32>
    %concatenate3A = tpu.concatenate %add3A_86, %add3A_96, %add3A_106, %add3A_116, %add3A_126, %add3A_136, %add3A_146, %add3A_156, %add3A_166, %add3A_176, %add3A_186, %add3A_196, %add3A_206, %add3A_216, %add3A_226, %add3A_236 in 0 : vector<128x8xf32>, vector<128x8xf32>, vector<128x8xf32>, vector<128x8xf32>, vector<128x8xf32>, vector<128x8xf32>, vector<128x8xf32>, vector<128x8xf32>, vector<128x8xf32>, vector<128x8xf32>, vector<128x8xf32>, vector<128x8xf32>, vector<128x8xf32>, vector<128x8xf32>, vector<128x8xf32>, vector<128x8xf32> -> vector<2048x8xf32>
    %add3A_242 = arith.constant 5.110000e+02 : f32
    %add3A_243 = vector.broadcast %add3A_242 : f32 to vector<1x8xf32>
    %add3A_244 = arith.addf %add3A_241, %add3A_243 : vector<1x8xf32>
    %mul3A_245 = arith.constant 0.001953125 : f32
    %mul3A_246 = vector.broadcast %mul3A_245 : f32 to vector<1x8xf32>
    %mul3A_247 = arith.mulf %add3A_244, %mul3A_246 : vector<1x8xf32>
    %floor3A = math.floor %mul3A_247 : vector<1x8xf32>
    %iota3A_248 = tpu.iota {dimensions = array<i32: 0>} : vector<8x8xi32>
    %iota3A_249 = tpu.iota {dimensions = array<i32: 1>} : vector<8x8xi32>
    %lt3A_250 = arith.cmpi slt, %iota3A_248, %iota3A_249 : vector<8x8xi32>
    %convert_element_type3A_251 = arith.extui %lt3A_250 : vector<8x8xi1> to vector<8x8xi32>
    %convert_element_type3A_252 = arith.sitofp %convert_element_type3A_251 : vector<8x8xi32> to vector<8x8xf32>
    %dot_general3A_253 = arith.constant dense<0.000000e+00> : vector<1x8xf32>
    %dot_general3A_254 = tpu.matmul %floor3A, %convert_element_type3A_252, %dot_general3A_253 {dimension_numbers = #tpu.dot_dimension_numbers<[1], [0], [0], [1], [0, 0, 1, 1], [], []>, transpose_lhs_hint = false} : vector<1x8xf32>, vector<8x8xf32>, vector<1x8xf32> -> vector<1x8xf32>
    %reduce_sum3A_255 = arith.constant dense<0.000000e+00> : vector<1xf32>
    %reduce_sum3A_256 = vector.multi_reduction <add>, %floor3A, %reduce_sum3A_255 [1] : vector<1x8xf32> to vector<1xf32>
    %broadcast_in_dim3A_257 = vector.shape_cast %reduce_sum3A_256 : vector<1xf32> to vector<1x1xf32>
    %mul3A_258 = arith.constant 5.120000e+02 : f32
    %mul3A_259 = vector.broadcast %mul3A_258 : f32 to vector<1x8xf32>
    %mul3A_260 = arith.mulf %dot_general3A_254, %mul3A_259 : vector<1x8xf32>
    %jit3A_261 = arith.constant 0.000000e+00 : f32
    %broadcast_in_dim3A_262 = vector.shape_cast %mul3A_260 : vector<1x8xf32> to vector<1x8xf32>
    %broadcast_in_dim3A_263 = vector.broadcast %broadcast_in_dim3A_262 : vector<1x8xf32> to vector<2048x8xf32>
    %broadcast_in_dim3A_264 = vector.broadcast %jit3A_261 : f32 to vector<2048x8xf32>
    %select_n3A_265 = arith.select %eq3A_53, %broadcast_in_dim3A_263, %broadcast_in_dim3A_264 : vector<2048x8xi1>, vector<2048x8xf32>
    %reduce_sum3A_266 = arith.constant dense<0.000000e+00> : vector<2048xf32>
    %reduce_sum3A_267 = vector.multi_reduction <add>, %select_n3A_265, %reduce_sum3A_266 [1] : vector<2048x8xf32> to vector<2048xf32>
    %broadcast_in_dim3A_268 = vector.shape_cast %reduce_sum3A_267 : vector<2048xf32> to vector<2048x1xf32>
    %jit3A_269 = arith.constant 0.000000e+00 : f32
    %broadcast_in_dim3A_270 = vector.shape_cast %mul3A_260 : vector<1x8xf32> to vector<1x8xf32>
    %broadcast_in_dim3A_271 = vector.broadcast %broadcast_in_dim3A_270 : vector<1x8xf32> to vector<2048x8xf32>
    %broadcast_in_dim3A_272 = vector.broadcast %jit3A_269 : f32 to vector<2048x8xf32>
    %select_n3A_273 = arith.select %eq3A_55, %broadcast_in_dim3A_271, %broadcast_in_dim3A_272 : vector<2048x8xi1>, vector<2048x8xf32>
    %reduce_sum3A_274 = arith.constant dense<0.000000e+00> : vector<2048xf32>
    %reduce_sum3A_275 = vector.multi_reduction <add>, %select_n3A_273, %reduce_sum3A_274 [1] : vector<2048x8xf32> to vector<2048xf32>
    %broadcast_in_dim3A_276 = vector.shape_cast %reduce_sum3A_275 : vector<2048xf32> to vector<2048x1xf32>
    %jit3A_277 = arith.constant 0.000000e+00 : f32
    %broadcast_in_dim3A_278 = vector.broadcast %jit3A_277 : f32 to vector<2048x8xf32>
    %select_n3A_279 = arith.select %eq3A_53, %concatenate3A, %broadcast_in_dim3A_278 : vector<2048x8xi1>, vector<2048x8xf32>
    %reduce_sum3A_280 = arith.constant dense<0.000000e+00> : vector<2048xf32>
    %reduce_sum3A_281 = vector.multi_reduction <add>, %select_n3A_279, %reduce_sum3A_280 [1] : vector<2048x8xf32> to vector<2048xf32>
    %broadcast_in_dim3A_282 = vector.shape_cast %reduce_sum3A_281 : vector<2048xf32> to vector<2048x1xf32>
    %jit3A_283 = arith.constant 0.000000e+00 : f32
    %broadcast_in_dim3A_284 = vector.broadcast %jit3A_283 : f32 to vector<2048x8xf32>
    %select_n3A_285 = arith.select %eq3A_55, %concatenate3A, %broadcast_in_dim3A_284 : vector<2048x8xi1>, vector<2048x8xf32>
    %reduce_sum3A_286 = arith.constant dense<0.000000e+00> : vector<2048xf32>
    %reduce_sum3A_287 = vector.multi_reduction <add>, %select_n3A_285, %reduce_sum3A_286 [1] : vector<2048x8xf32> to vector<2048xf32>
    %broadcast_in_dim3A_288 = vector.shape_cast %reduce_sum3A_287 : vector<2048xf32> to vector<2048x1xf32>
    %add3A_289 = arith.addf %broadcast_in_dim3A_268, %broadcast_in_dim3A_282 : vector<2048x1xf32>
    %add3A_290 = arith.addf %broadcast_in_dim3A_276, %broadcast_in_dim3A_288 : vector<2048x1xf32>
    %broadcast_in_dim3A_291 = arith.constant 0.000000e+00 : f32
    %broadcast_in_dim3A_292 = vector.broadcast %broadcast_in_dim3A_291 : f32 to vector<2048x4xf32>
    %concatenate3A_293 = tpu.concatenate %add3A_289, %add3A_290, %div3A_72, %div3A_73, %broadcast_in_dim3A_292 in 1 : vector<2048x1xf32>, vector<2048x1xf32>, vector<2048x1xf32>, vector<2048x1xf32>, vector<2048x4xf32> -> vector<2048x8xf32>
    %swap3A_294 = arith.constant 0 : index
    %swap3A_295 = arith.constant 0 : index
    %swap3A_296 = vector.load %arg5[%swap3A_294, %swap3A_295] : memref<2048x8xf32, #tpu.memory_space<vmem>>, vector<2048x8xf32>
    tpu.vector_store %arg5[%swap3A_294, %swap3A_295], %concatenate3A_293 {strides = array<i32>} : memref<2048x8xf32, #tpu.memory_space<vmem>>, vector<2048x8xf32>,
    %broadcast_in_dim3A_297 = arith.constant 0.000000e+00 : f32
    %broadcast_in_dim3A_298 = vector.broadcast %broadcast_in_dim3A_297 : f32 to vector<1x7xf32>
    %concatenate3A_299 = tpu.concatenate %dot_general3A_254, %broadcast_in_dim3A_257, %broadcast_in_dim3A_298 in 1 : vector<1x8xf32>, vector<1x1xf32>, vector<1x7xf32> -> vector<1x16xf32>
    %broadcast_in_dim3A_300 = vector.shape_cast %concatenate3A_299 : vector<1x16xf32> to vector<1x16xf32>
    %broadcast_in_dim3A_301 = vector.broadcast %broadcast_in_dim3A_300 : vector<1x16xf32> to vector<8x16xf32>
    %convert_element_type3A_302 = arith.fptosi %broadcast_in_dim3A_301 : vector<8x16xf32> to vector<8x16xi32>
    %swap3A_303 = arith.constant 0 : index
    %swap3A_304 = arith.constant 0 : index
    %swap3A_305 = vector.load %arg6[%swap3A_303, %swap3A_304] : memref<8x16xi32, #tpu.memory_space<vmem>>, vector<8x16xi32>
    tpu.vector_store %arg6[%swap3A_303, %swap3A_304], %convert_element_type3A_302 {strides = array<i32>} : memref<8x16xi32, #tpu.memory_space<vmem>>, vector<8x16xi32>,
    return
  }
}

module attributes {stable_mosaic.version = 14 : i64} {
  func.func @_ffn_body(%arg0: i32, %arg1: memref<8x16xi32, #tpu.memory_space<smem>>, %arg2: memref<512x1024xf32, #tpu.memory_space<vmem>>, %arg3: memref<1x1024x512xf32, #tpu.memory_space<vmem>>, %arg4: memref<1x1024x512xf32, #tpu.memory_space<vmem>>, %arg5: memref<1x512x1024xf32, #tpu.memory_space<vmem>>, %arg6: memref<512x1024xf32, #tpu.memory_space<vmem>>) attributes {dimension_semantics = [#tpu.dimension_semantics<arbitrary>], iteration_bounds = array<i64: 16>, scalar_prefetch = 1 : i64, scratch_operands = 0 : i64, tpu.core_type = #tpu.core_type<tc>, window_params = [{transform_indices = @transform_0, window_bounds = array<i64: 512, 1024>}, {transform_indices = @transform_1, window_bounds = array<i64: 1, 1024, 512>}, {transform_indices = @transform_2, window_bounds = array<i64: 1, 1024, 512>}, {transform_indices = @transform_3, window_bounds = array<i64: 1, 512, 1024>}, {transform_indices = @transform_4, window_bounds = array<i64: 512, 1024>}]} {
    %get3A = arith.constant 0 : index
    %get3A_0 = arith.constant 8 : index
    %get3A_1 = memref.load %arg1[%get3A, %get3A_0] : memref<8x16xi32, #tpu.memory_space<smem>>
    %lt3A = arith.cmpi slt, %arg0, %get3A_1 : i32
    %convert_element_type3A = arith.extui %lt3A : i1 to i32
    %cond3A = arith.constant 0 : i32
    %cond3A_2 = arith.cmpi ne, %convert_element_type3A, %cond3A : i32
    scf.if %cond3A_2 {
      %get3A_3 = arith.constant 0 : index
      %get3A_4 = arith.constant 0 : index
      %get3A_5 = vector.load %arg2[%get3A_3, %get3A_4] : memref<512x1024xf32, #tpu.memory_space<vmem>>, vector<512x1024xf32>
      %get3A_6 = arith.constant 0 : index
      %get3A_7 = arith.constant 0 : index
      %get3A_8 = arith.constant 0 : index
      %get3A_9 = vector.load %arg3[%get3A_6, %get3A_7, %get3A_8] : memref<1x1024x512xf32, #tpu.memory_space<vmem>>, vector<1x1024x512xf32>
      %get3A_10 = vector.shape_cast %get3A_9 : vector<1x1024x512xf32> to vector<1024x512xf32>
      %dot_general3A = arith.constant dense<0.000000e+00> : vector<512x512xf32>
      %dot_general3A_11 = tpu.matmul %get3A_5, %get3A_10, %dot_general3A {dimension_numbers = #tpu.dot_dimension_numbers<[1], [0], [0], [1], [0, 0, 1, 1], [], []>, transpose_lhs_hint = false} : vector<512x1024xf32>, vector<1024x512xf32>, vector<512x512xf32> -> vector<512x512xf32>
      %get3A_12 = arith.constant 0 : index
      %get3A_13 = arith.constant 0 : index
      %get3A_14 = arith.constant 0 : index
      %get3A_15 = vector.load %arg4[%get3A_12, %get3A_13, %get3A_14] : memref<1x1024x512xf32, #tpu.memory_space<vmem>>, vector<1x1024x512xf32>
      %get3A_16 = vector.shape_cast %get3A_15 : vector<1x1024x512xf32> to vector<1024x512xf32>
      %dot_general3A_17 = arith.constant dense<0.000000e+00> : vector<512x512xf32>
      %dot_general3A_18 = tpu.matmul %get3A_5, %get3A_16, %dot_general3A_17 {dimension_numbers = #tpu.dot_dimension_numbers<[1], [0], [0], [1], [0, 0, 1, 1], [], []>, transpose_lhs_hint = false} : vector<512x1024xf32>, vector<1024x512xf32>, vector<512x512xf32> -> vector<512x512xf32>
      %logistic3A = arith.negf %dot_general3A_11 : vector<512x512xf32>
      %logistic3A_19 = math.exp %logistic3A : vector<512x512xf32>
      %logistic3A_20 = arith.constant 1.000000e+00 : f32
      %logistic3A_21 = vector.broadcast %logistic3A_20 : f32 to vector<512x512xf32>
      %logistic3A_22 = arith.addf %logistic3A_21, %logistic3A_19 : vector<512x512xf32>
      %logistic3A_23 = arith.divf %logistic3A_21, %logistic3A_22 : vector<512x512xf32>
      %mul3A = arith.mulf %dot_general3A_11, %logistic3A_23 : vector<512x512xf32>
      %mul3A_24 = arith.mulf %mul3A, %dot_general3A_18 : vector<512x512xf32>
      %get3A_25 = arith.constant 0 : index
      %get3A_26 = arith.constant 0 : index
      %get3A_27 = arith.constant 0 : index
      %get3A_28 = vector.load %arg5[%get3A_25, %get3A_26, %get3A_27] : memref<1x512x1024xf32, #tpu.memory_space<vmem>>, vector<1x512x1024xf32>
      %get3A_29 = vector.shape_cast %get3A_28 : vector<1x512x1024xf32> to vector<512x1024xf32>
      %dot_general3A_30 = arith.constant dense<0.000000e+00> : vector<512x1024xf32>
      %dot_general3A_31 = tpu.matmul %mul3A_24, %get3A_29, %dot_general3A_30 {dimension_numbers = #tpu.dot_dimension_numbers<[1], [0], [0], [1], [0, 0, 1, 1], [], []>, transpose_lhs_hint = false} : vector<512x512xf32>, vector<512x1024xf32>, vector<512x1024xf32> -> vector<512x1024xf32>
      %swap3A = arith.constant 0 : index
      %swap3A_32 = arith.constant 0 : index
      %swap3A_33 = vector.load %arg6[%swap3A, %swap3A_32] : memref<512x1024xf32, #tpu.memory_space<vmem>>, vector<512x1024xf32>
      tpu.vector_store %arg6[%swap3A, %swap3A_32], %dot_general3A_31 {strides = array<i32>} : memref<512x1024xf32, #tpu.memory_space<vmem>>, vector<512x1024xf32>,
    } else {
    }
    return
  }
  func.func @transform_0(%arg0: i32, %arg1: memref<8x16xi32, #tpu.memory_space<smem>>) -> (i32, i32) {
    %get3A = arith.constant 0 : index
    %get3A_0 = arith.constant 8 : index
    %get3A_1 = memref.load %arg1[%get3A, %get3A_0] : memref<8x16xi32, #tpu.memory_space<smem>>
    %min3A = arith.minsi %arg0, %get3A_1 : i32
    %c0_i32 = arith.constant 0 : i32
    %c0_i32_2 = arith.constant 0 : i32
    return %min3A, %c0_i32 : i32, i32
  }
  func.func @transform_1(%arg0: i32, %arg1: memref<8x16xi32, #tpu.memory_space<smem>>) -> (i32, i32, i32) {
    %get3A = arith.constant 0 : index
    %get3A_0 = arith.constant 8 : index
    %get3A_1 = memref.load %arg1[%get3A, %get3A_0] : memref<8x16xi32, #tpu.memory_space<smem>>
    %sub3A = arith.constant 1 : i32
    %sub3A_2 = arith.subi %get3A_1, %sub3A : i32
    %min3A = arith.minsi %arg0, %sub3A_2 : i32
    %get3A_3 = arith.constant 0 : index
    %get3A_4 = arith.constant 0 : index
    %get3A_5 = memref.load %arg1[%get3A_3, %get3A_4] : memref<8x16xi32, #tpu.memory_space<smem>>
    %le3A = arith.cmpi sle, %get3A_5, %min3A : i32
    %jit3A = arith.constant 1 : i32
    %jit3A_6 = arith.constant 0 : i32
    %select_n3A = arith.select %le3A, %jit3A, %jit3A_6 : i32
    %add3A = arith.constant -1 : i32
    %add3A_7 = arith.addi %add3A, %select_n3A : i32
    %get3A_8 = arith.constant 0 : index
    %get3A_9 = arith.constant 1 : index
    %get3A_10 = memref.load %arg1[%get3A_8, %get3A_9] : memref<8x16xi32, #tpu.memory_space<smem>>
    %le3A_11 = arith.cmpi sle, %get3A_10, %min3A : i32
    %jit3A_12 = arith.constant 1 : i32
    %jit3A_13 = arith.constant 0 : i32
    %select_n3A_14 = arith.select %le3A_11, %jit3A_12, %jit3A_13 : i32
    %add3A_15 = arith.addi %add3A_7, %select_n3A_14 : i32
    %get3A_16 = arith.constant 0 : index
    %get3A_17 = arith.constant 2 : index
    %get3A_18 = memref.load %arg1[%get3A_16, %get3A_17] : memref<8x16xi32, #tpu.memory_space<smem>>
    %le3A_19 = arith.cmpi sle, %get3A_18, %min3A : i32
    %jit3A_20 = arith.constant 1 : i32
    %jit3A_21 = arith.constant 0 : i32
    %select_n3A_22 = arith.select %le3A_19, %jit3A_20, %jit3A_21 : i32
    %add3A_23 = arith.addi %add3A_15, %select_n3A_22 : i32
    %get3A_24 = arith.constant 0 : index
    %get3A_25 = arith.constant 3 : index
    %get3A_26 = memref.load %arg1[%get3A_24, %get3A_25] : memref<8x16xi32, #tpu.memory_space<smem>>
    %le3A_27 = arith.cmpi sle, %get3A_26, %min3A : i32
    %jit3A_28 = arith.constant 1 : i32
    %jit3A_29 = arith.constant 0 : i32
    %select_n3A_30 = arith.select %le3A_27, %jit3A_28, %jit3A_29 : i32
    %add3A_31 = arith.addi %add3A_23, %select_n3A_30 : i32
    %get3A_32 = arith.constant 0 : index
    %get3A_33 = arith.constant 4 : index
    %get3A_34 = memref.load %arg1[%get3A_32, %get3A_33] : memref<8x16xi32, #tpu.memory_space<smem>>
    %le3A_35 = arith.cmpi sle, %get3A_34, %min3A : i32
    %jit3A_36 = arith.constant 1 : i32
    %jit3A_37 = arith.constant 0 : i32
    %select_n3A_38 = arith.select %le3A_35, %jit3A_36, %jit3A_37 : i32
    %add3A_39 = arith.addi %add3A_31, %select_n3A_38 : i32
    %get3A_40 = arith.constant 0 : index
    %get3A_41 = arith.constant 5 : index
    %get3A_42 = memref.load %arg1[%get3A_40, %get3A_41] : memref<8x16xi32, #tpu.memory_space<smem>>
    %le3A_43 = arith.cmpi sle, %get3A_42, %min3A : i32
    %jit3A_44 = arith.constant 1 : i32
    %jit3A_45 = arith.constant 0 : i32
    %select_n3A_46 = arith.select %le3A_43, %jit3A_44, %jit3A_45 : i32
    %add3A_47 = arith.addi %add3A_39, %select_n3A_46 : i32
    %get3A_48 = arith.constant 0 : index
    %get3A_49 = arith.constant 6 : index
    %get3A_50 = memref.load %arg1[%get3A_48, %get3A_49] : memref<8x16xi32, #tpu.memory_space<smem>>
    %le3A_51 = arith.cmpi sle, %get3A_50, %min3A : i32
    %jit3A_52 = arith.constant 1 : i32
    %jit3A_53 = arith.constant 0 : i32
    %select_n3A_54 = arith.select %le3A_51, %jit3A_52, %jit3A_53 : i32
    %add3A_55 = arith.addi %add3A_47, %select_n3A_54 : i32
    %get3A_56 = arith.constant 0 : index
    %get3A_57 = arith.constant 7 : index
    %get3A_58 = memref.load %arg1[%get3A_56, %get3A_57] : memref<8x16xi32, #tpu.memory_space<smem>>
    %le3A_59 = arith.cmpi sle, %get3A_58, %min3A : i32
    %jit3A_60 = arith.constant 1 : i32
    %jit3A_61 = arith.constant 0 : i32
    %select_n3A_62 = arith.select %le3A_59, %jit3A_60, %jit3A_61 : i32
    %add3A_63 = arith.addi %add3A_55, %select_n3A_62 : i32
    %c0_i32 = arith.constant 0 : i32
    %c0_i32_64 = arith.constant 0 : i32
    %c0_i32_65 = arith.constant 0 : i32
    return %add3A_63, %c0_i32, %c0_i32_64 : i32, i32, i32
  }
  func.func @transform_2(%arg0: i32, %arg1: memref<8x16xi32, #tpu.memory_space<smem>>) -> (i32, i32, i32) {
    %get3A = arith.constant 0 : index
    %get3A_0 = arith.constant 8 : index
    %get3A_1 = memref.load %arg1[%get3A, %get3A_0] : memref<8x16xi32, #tpu.memory_space<smem>>
    %sub3A = arith.constant 1 : i32
    %sub3A_2 = arith.subi %get3A_1, %sub3A : i32
    %min3A = arith.minsi %arg0, %sub3A_2 : i32
    %get3A_3 = arith.constant 0 : index
    %get3A_4 = arith.constant 0 : index
    %get3A_5 = memref.load %arg1[%get3A_3, %get3A_4] : memref<8x16xi32, #tpu.memory_space<smem>>
    %le3A = arith.cmpi sle, %get3A_5, %min3A : i32
    %jit3A = arith.constant 1 : i32
    %jit3A_6 = arith.constant 0 : i32
    %select_n3A = arith.select %le3A, %jit3A, %jit3A_6 : i32
    %add3A = arith.constant -1 : i32
    %add3A_7 = arith.addi %add3A, %select_n3A : i32
    %get3A_8 = arith.constant 0 : index
    %get3A_9 = arith.constant 1 : index
    %get3A_10 = memref.load %arg1[%get3A_8, %get3A_9] : memref<8x16xi32, #tpu.memory_space<smem>>
    %le3A_11 = arith.cmpi sle, %get3A_10, %min3A : i32
    %jit3A_12 = arith.constant 1 : i32
    %jit3A_13 = arith.constant 0 : i32
    %select_n3A_14 = arith.select %le3A_11, %jit3A_12, %jit3A_13 : i32
    %add3A_15 = arith.addi %add3A_7, %select_n3A_14 : i32
    %get3A_16 = arith.constant 0 : index
    %get3A_17 = arith.constant 2 : index
    %get3A_18 = memref.load %arg1[%get3A_16, %get3A_17] : memref<8x16xi32, #tpu.memory_space<smem>>
    %le3A_19 = arith.cmpi sle, %get3A_18, %min3A : i32
    %jit3A_20 = arith.constant 1 : i32
    %jit3A_21 = arith.constant 0 : i32
    %select_n3A_22 = arith.select %le3A_19, %jit3A_20, %jit3A_21 : i32
    %add3A_23 = arith.addi %add3A_15, %select_n3A_22 : i32
    %get3A_24 = arith.constant 0 : index
    %get3A_25 = arith.constant 3 : index
    %get3A_26 = memref.load %arg1[%get3A_24, %get3A_25] : memref<8x16xi32, #tpu.memory_space<smem>>
    %le3A_27 = arith.cmpi sle, %get3A_26, %min3A : i32
    %jit3A_28 = arith.constant 1 : i32
    %jit3A_29 = arith.constant 0 : i32
    %select_n3A_30 = arith.select %le3A_27, %jit3A_28, %jit3A_29 : i32
    %add3A_31 = arith.addi %add3A_23, %select_n3A_30 : i32
    %get3A_32 = arith.constant 0 : index
    %get3A_33 = arith.constant 4 : index
    %get3A_34 = memref.load %arg1[%get3A_32, %get3A_33] : memref<8x16xi32, #tpu.memory_space<smem>>
    %le3A_35 = arith.cmpi sle, %get3A_34, %min3A : i32
    %jit3A_36 = arith.constant 1 : i32
    %jit3A_37 = arith.constant 0 : i32
    %select_n3A_38 = arith.select %le3A_35, %jit3A_36, %jit3A_37 : i32
    %add3A_39 = arith.addi %add3A_31, %select_n3A_38 : i32
    %get3A_40 = arith.constant 0 : index
    %get3A_41 = arith.constant 5 : index
    %get3A_42 = memref.load %arg1[%get3A_40, %get3A_41] : memref<8x16xi32, #tpu.memory_space<smem>>
    %le3A_43 = arith.cmpi sle, %get3A_42, %min3A : i32
    %jit3A_44 = arith.constant 1 : i32
    %jit3A_45 = arith.constant 0 : i32
    %select_n3A_46 = arith.select %le3A_43, %jit3A_44, %jit3A_45 : i32
    %add3A_47 = arith.addi %add3A_39, %select_n3A_46 : i32
    %get3A_48 = arith.constant 0 : index
    %get3A_49 = arith.constant 6 : index
    %get3A_50 = memref.load %arg1[%get3A_48, %get3A_49] : memref<8x16xi32, #tpu.memory_space<smem>>
    %le3A_51 = arith.cmpi sle, %get3A_50, %min3A : i32
    %jit3A_52 = arith.constant 1 : i32
    %jit3A_53 = arith.constant 0 : i32
    %select_n3A_54 = arith.select %le3A_51, %jit3A_52, %jit3A_53 : i32
    %add3A_55 = arith.addi %add3A_47, %select_n3A_54 : i32
    %get3A_56 = arith.constant 0 : index
    %get3A_57 = arith.constant 7 : index
    %get3A_58 = memref.load %arg1[%get3A_56, %get3A_57] : memref<8x16xi32, #tpu.memory_space<smem>>
    %le3A_59 = arith.cmpi sle, %get3A_58, %min3A : i32
    %jit3A_60 = arith.constant 1 : i32
    %jit3A_61 = arith.constant 0 : i32
    %select_n3A_62 = arith.select %le3A_59, %jit3A_60, %jit3A_61 : i32
    %add3A_63 = arith.addi %add3A_55, %select_n3A_62 : i32
    %c0_i32 = arith.constant 0 : i32
    %c0_i32_64 = arith.constant 0 : i32
    %c0_i32_65 = arith.constant 0 : i32
    return %add3A_63, %c0_i32, %c0_i32_64 : i32, i32, i32
  }
  func.func @transform_3(%arg0: i32, %arg1: memref<8x16xi32, #tpu.memory_space<smem>>) -> (i32, i32, i32) {
    %get3A = arith.constant 0 : index
    %get3A_0 = arith.constant 8 : index
    %get3A_1 = memref.load %arg1[%get3A, %get3A_0] : memref<8x16xi32, #tpu.memory_space<smem>>
    %sub3A = arith.constant 1 : i32
    %sub3A_2 = arith.subi %get3A_1, %sub3A : i32
    %min3A = arith.minsi %arg0, %sub3A_2 : i32
    %get3A_3 = arith.constant 0 : index
    %get3A_4 = arith.constant 0 : index
    %get3A_5 = memref.load %arg1[%get3A_3, %get3A_4] : memref<8x16xi32, #tpu.memory_space<smem>>
    %le3A = arith.cmpi sle, %get3A_5, %min3A : i32
    %jit3A = arith.constant 1 : i32
    %jit3A_6 = arith.constant 0 : i32
    %select_n3A = arith.select %le3A, %jit3A, %jit3A_6 : i32
    %add3A = arith.constant -1 : i32
    %add3A_7 = arith.addi %add3A, %select_n3A : i32
    %get3A_8 = arith.constant 0 : index
    %get3A_9 = arith.constant 1 : index
    %get3A_10 = memref.load %arg1[%get3A_8, %get3A_9] : memref<8x16xi32, #tpu.memory_space<smem>>
    %le3A_11 = arith.cmpi sle, %get3A_10, %min3A : i32
    %jit3A_12 = arith.constant 1 : i32
    %jit3A_13 = arith.constant 0 : i32
    %select_n3A_14 = arith.select %le3A_11, %jit3A_12, %jit3A_13 : i32
    %add3A_15 = arith.addi %add3A_7, %select_n3A_14 : i32
    %get3A_16 = arith.constant 0 : index
    %get3A_17 = arith.constant 2 : index
    %get3A_18 = memref.load %arg1[%get3A_16, %get3A_17] : memref<8x16xi32, #tpu.memory_space<smem>>
    %le3A_19 = arith.cmpi sle, %get3A_18, %min3A : i32
    %jit3A_20 = arith.constant 1 : i32
    %jit3A_21 = arith.constant 0 : i32
    %select_n3A_22 = arith.select %le3A_19, %jit3A_20, %jit3A_21 : i32
    %add3A_23 = arith.addi %add3A_15, %select_n3A_22 : i32
    %get3A_24 = arith.constant 0 : index
    %get3A_25 = arith.constant 3 : index
    %get3A_26 = memref.load %arg1[%get3A_24, %get3A_25] : memref<8x16xi32, #tpu.memory_space<smem>>
    %le3A_27 = arith.cmpi sle, %get3A_26, %min3A : i32
    %jit3A_28 = arith.constant 1 : i32
    %jit3A_29 = arith.constant 0 : i32
    %select_n3A_30 = arith.select %le3A_27, %jit3A_28, %jit3A_29 : i32
    %add3A_31 = arith.addi %add3A_23, %select_n3A_30 : i32
    %get3A_32 = arith.constant 0 : index
    %get3A_33 = arith.constant 4 : index
    %get3A_34 = memref.load %arg1[%get3A_32, %get3A_33] : memref<8x16xi32, #tpu.memory_space<smem>>
    %le3A_35 = arith.cmpi sle, %get3A_34, %min3A : i32
    %jit3A_36 = arith.constant 1 : i32
    %jit3A_37 = arith.constant 0 : i32
    %select_n3A_38 = arith.select %le3A_35, %jit3A_36, %jit3A_37 : i32
    %add3A_39 = arith.addi %add3A_31, %select_n3A_38 : i32
    %get3A_40 = arith.constant 0 : index
    %get3A_41 = arith.constant 5 : index
    %get3A_42 = memref.load %arg1[%get3A_40, %get3A_41] : memref<8x16xi32, #tpu.memory_space<smem>>
    %le3A_43 = arith.cmpi sle, %get3A_42, %min3A : i32
    %jit3A_44 = arith.constant 1 : i32
    %jit3A_45 = arith.constant 0 : i32
    %select_n3A_46 = arith.select %le3A_43, %jit3A_44, %jit3A_45 : i32
    %add3A_47 = arith.addi %add3A_39, %select_n3A_46 : i32
    %get3A_48 = arith.constant 0 : index
    %get3A_49 = arith.constant 6 : index
    %get3A_50 = memref.load %arg1[%get3A_48, %get3A_49] : memref<8x16xi32, #tpu.memory_space<smem>>
    %le3A_51 = arith.cmpi sle, %get3A_50, %min3A : i32
    %jit3A_52 = arith.constant 1 : i32
    %jit3A_53 = arith.constant 0 : i32
    %select_n3A_54 = arith.select %le3A_51, %jit3A_52, %jit3A_53 : i32
    %add3A_55 = arith.addi %add3A_47, %select_n3A_54 : i32
    %get3A_56 = arith.constant 0 : index
    %get3A_57 = arith.constant 7 : index
    %get3A_58 = memref.load %arg1[%get3A_56, %get3A_57] : memref<8x16xi32, #tpu.memory_space<smem>>
    %le3A_59 = arith.cmpi sle, %get3A_58, %min3A : i32
    %jit3A_60 = arith.constant 1 : i32
    %jit3A_61 = arith.constant 0 : i32
    %select_n3A_62 = arith.select %le3A_59, %jit3A_60, %jit3A_61 : i32
    %add3A_63 = arith.addi %add3A_55, %select_n3A_62 : i32
    %c0_i32 = arith.constant 0 : i32
    %c0_i32_64 = arith.constant 0 : i32
    %c0_i32_65 = arith.constant 0 : i32
    return %add3A_63, %c0_i32, %c0_i32_64 : i32, i32, i32
  }
  func.func @transform_4(%arg0: i32, %arg1: memref<8x16xi32, #tpu.memory_space<smem>>) -> (i32, i32) {
    %get3A = arith.constant 0 : index
    %get3A_0 = arith.constant 8 : index
    %get3A_1 = memref.load %arg1[%get3A, %get3A_0] : memref<8x16xi32, #tpu.memory_space<smem>>
    %min3A = arith.minsi %arg0, %get3A_1 : i32
    %c0_i32 = arith.constant 0 : i32
    %c0_i32_2 = arith.constant 0 : i32
    return %min3A, %c0_i32 : i32, i32
  }
}

module attributes {stable_mosaic.version = 14 : i64} {
  func.func @_shared_body(%arg0: i32, %arg1: memref<256x1024xf32, #tpu.memory_space<vmem>>, %arg2: memref<1024x512xf32, #tpu.memory_space<vmem>>, %arg3: memref<1024x512xf32, #tpu.memory_space<vmem>>, %arg4: memref<512x1024xf32, #tpu.memory_space<vmem>>, %arg5: memref<256x1024xf32, #tpu.memory_space<vmem>>) attributes {dimension_semantics = [#tpu.dimension_semantics<arbitrary>], iteration_bounds = array<i64: 4>, scalar_prefetch = 0 : i64, scratch_operands = 0 : i64, tpu.core_type = #tpu.core_type<tc>, window_params = [{transform_indices = @transform_0, window_bounds = array<i64: 256, 1024>}, {pipeline_mode = #tpu.pipeline_mode<synchronous>, transform_indices = @transform_1, window_bounds = array<i64: 1024, 512>}, {pipeline_mode = #tpu.pipeline_mode<synchronous>, transform_indices = @transform_2, window_bounds = array<i64: 1024, 512>}, {pipeline_mode = #tpu.pipeline_mode<synchronous>, transform_indices = @transform_3, window_bounds = array<i64: 512, 1024>}, {transform_indices = @transform_4, window_bounds = array<i64: 256, 1024>}]} {
    %get3A = arith.constant 0 : index
    %get3A_0 = arith.constant 0 : index
    %get3A_1 = vector.load %arg1[%get3A, %get3A_0] : memref<256x1024xf32, #tpu.memory_space<vmem>>, vector<256x1024xf32>
    %get3A_2 = arith.constant 0 : index
    %get3A_3 = arith.constant 0 : index
    %get3A_4 = vector.load %arg2[%get3A_2, %get3A_3] : memref<1024x512xf32, #tpu.memory_space<vmem>>, vector<1024x512xf32>
    %dot_general3A = arith.constant dense<0.000000e+00> : vector<256x512xf32>
    %dot_general3A_5 = tpu.matmul %get3A_1, %get3A_4, %dot_general3A {dimension_numbers = #tpu.dot_dimension_numbers<[1], [0], [0], [1], [0, 0, 1, 1], [], []>, transpose_lhs_hint = false} : vector<256x1024xf32>, vector<1024x512xf32>, vector<256x512xf32> -> vector<256x512xf32>
    %get3A_6 = arith.constant 0 : index
    %get3A_7 = arith.constant 0 : index
    %get3A_8 = vector.load %arg3[%get3A_6, %get3A_7] : memref<1024x512xf32, #tpu.memory_space<vmem>>, vector<1024x512xf32>
    %dot_general3A_9 = arith.constant dense<0.000000e+00> : vector<256x512xf32>
    %dot_general3A_10 = tpu.matmul %get3A_1, %get3A_8, %dot_general3A_9 {dimension_numbers = #tpu.dot_dimension_numbers<[1], [0], [0], [1], [0, 0, 1, 1], [], []>, transpose_lhs_hint = false} : vector<256x1024xf32>, vector<1024x512xf32>, vector<256x512xf32> -> vector<256x512xf32>
    %logistic3A = arith.negf %dot_general3A_5 : vector<256x512xf32>
    %logistic3A_11 = math.exp %logistic3A : vector<256x512xf32>
    %logistic3A_12 = arith.constant 1.000000e+00 : f32
    %logistic3A_13 = vector.broadcast %logistic3A_12 : f32 to vector<256x512xf32>
    %logistic3A_14 = arith.addf %logistic3A_13, %logistic3A_11 : vector<256x512xf32>
    %logistic3A_15 = arith.divf %logistic3A_13, %logistic3A_14 : vector<256x512xf32>
    %mul3A = arith.mulf %dot_general3A_5, %logistic3A_15 : vector<256x512xf32>
    %mul3A_16 = arith.mulf %mul3A, %dot_general3A_10 : vector<256x512xf32>
    %get3A_17 = arith.constant 0 : index
    %get3A_18 = arith.constant 0 : index
    %get3A_19 = vector.load %arg4[%get3A_17, %get3A_18] : memref<512x1024xf32, #tpu.memory_space<vmem>>, vector<512x1024xf32>
    %dot_general3A_20 = arith.constant dense<0.000000e+00> : vector<256x1024xf32>
    %dot_general3A_21 = tpu.matmul %mul3A_16, %get3A_19, %dot_general3A_20 {dimension_numbers = #tpu.dot_dimension_numbers<[1], [0], [0], [1], [0, 0, 1, 1], [], []>, transpose_lhs_hint = false} : vector<256x512xf32>, vector<512x1024xf32>, vector<256x1024xf32> -> vector<256x1024xf32>
    %swap3A = arith.constant 0 : index
    %swap3A_22 = arith.constant 0 : index
    %swap3A_23 = vector.load %arg5[%swap3A, %swap3A_22] : memref<256x1024xf32, #tpu.memory_space<vmem>>, vector<256x1024xf32>
    tpu.vector_store %arg5[%swap3A, %swap3A_22], %dot_general3A_21 {strides = array<i32>} : memref<256x1024xf32, #tpu.memory_space<vmem>>, vector<256x1024xf32>,
    return
  }
  func.func @transform_0(%arg0: i32) -> (i32, i32) {
    %add3A = arith.constant 0 : i32
    %add3A_0 = arith.addi %add3A, %arg0 : i32
    %c0_i32 = arith.constant 0 : i32
    %c0_i32_1 = arith.constant 0 : i32
    return %add3A_0, %c0_i32 : i32, i32
  }
  func.func @transform_1(%arg0: i32) -> (i32, i32) {
    %c0_i32 = arith.constant 0 : i32
    %c0_i32_0 = arith.constant 0 : i32
    %c0_i32_1 = arith.constant 0 : i32
    return %c0_i32, %c0_i32_0 : i32, i32
  }
  func.func @transform_2(%arg0: i32) -> (i32, i32) {
    %c0_i32 = arith.constant 0 : i32
    %c0_i32_0 = arith.constant 0 : i32
    %c0_i32_1 = arith.constant 0 : i32
    return %c0_i32, %c0_i32_0 : i32, i32
  }
  func.func @transform_3(%arg0: i32) -> (i32, i32) {
    %c0_i32 = arith.constant 0 : i32
    %c0_i32_0 = arith.constant 0 : i32
    %c0_i32_1 = arith.constant 0 : i32
    return %c0_i32, %c0_i32_0 : i32, i32
  }
  func.func @transform_4(%arg0: i32) -> (i32, i32) {
    %c0_i32 = arith.constant 0 : i32
    %c0_i32_0 = arith.constant 0 : i32
    return %arg0, %c0_i32 : i32, i32
  }
}

module attributes {stable_mosaic.version = 14 : i64} {
  func.func @_combine_body(%arg0: i32, %arg1: memref<256x1024xf32, #tpu.memory_space<vmem>>, %arg2: memref<256x1024xf32, #tpu.memory_space<vmem>>, %arg3: memref<256x1024xf32, #tpu.memory_space<vmem>>, %arg4: memref<256x8xf32, #tpu.memory_space<vmem>>, %arg5: memref<256x1024xf32, #tpu.memory_space<vmem>>, %arg6: memref<256x1024xf32, #tpu.memory_space<vmem>>, %arg7: memref<256x1024xf32, #tpu.memory_space<vmem>>) attributes {dimension_semantics = [#tpu.dimension_semantics<arbitrary>], iteration_bounds = array<i64: 8>, scalar_prefetch = 0 : i64, scratch_operands = 0 : i64, tpu.core_type = #tpu.core_type<tc>, window_params = [{transform_indices = @transform_0, window_bounds = array<i64: 256, 1024>}, {transform_indices = @transform_1, window_bounds = array<i64: 256, 1024>}, {transform_indices = @transform_2, window_bounds = array<i64: 256, 1024>}, {transform_indices = @transform_3, window_bounds = array<i64: 256, 8>}, {transform_indices = @transform_4, window_bounds = array<i64: 256, 1024>}, {transform_indices = @transform_5, window_bounds = array<i64: 256, 1024>}, {transform_indices = @transform_6, window_bounds = array<i64: 256, 1024>}]} {
    %get3A = arith.constant 0 : index
    %get3A_0 = arith.constant 2 : index
    %get3A_1 = vector.load %arg4[%get3A, %get3A_0] : memref<256x8xf32, #tpu.memory_space<vmem>>, vector<256x1xf32>
    %get3A_2 = arith.constant 0 : index
    %get3A_3 = arith.constant 3 : index
    %get3A_4 = vector.load %arg4[%get3A_2, %get3A_3] : memref<256x8xf32, #tpu.memory_space<vmem>>, vector<256x1xf32>
    %lt3A = arith.constant 4 : i32
    %lt3A_5 = arith.cmpi slt, %arg0, %lt3A : i32
    %get3A_6 = arith.constant 0 : index
    %get3A_7 = arith.constant 0 : index
    %get3A_8 = vector.load %arg2[%get3A_6, %get3A_7] : memref<256x1024xf32, #tpu.memory_space<vmem>>, vector<256x1024xf32>
    %get3A_9 = arith.constant 0 : index
    %get3A_10 = arith.constant 0 : index
    %get3A_11 = vector.load %arg3[%get3A_9, %get3A_10] : memref<256x1024xf32, #tpu.memory_space<vmem>>, vector<256x1024xf32>
    %select_n3A = arith.select %lt3A_5, %get3A_8, %get3A_11 : vector<256x1024xf32>
    %get3A_12 = arith.constant 0 : index
    %get3A_13 = arith.constant 0 : index
    %get3A_14 = vector.load %arg1[%get3A_12, %get3A_13] : memref<256x1024xf32, #tpu.memory_space<vmem>>, vector<256x1024xf32>
    %add3A = arith.addf %get3A_14, %select_n3A : vector<256x1024xf32>
    %get3A_15 = arith.constant 0 : index
    %get3A_16 = arith.constant 0 : index
    %get3A_17 = vector.load %arg5[%get3A_15, %get3A_16] : memref<256x1024xf32, #tpu.memory_space<vmem>>, vector<256x1024xf32>
    %mul3A = vector.broadcast %get3A_1 : vector<256x1xf32> to vector<256x1024xf32>
    %mul3A_18 = arith.mulf %mul3A, %get3A_17 : vector<256x1024xf32>
    %add3A_19 = arith.addf %add3A, %mul3A_18 : vector<256x1024xf32>
    %get3A_20 = arith.constant 0 : index
    %get3A_21 = arith.constant 0 : index
    %get3A_22 = vector.load %arg6[%get3A_20, %get3A_21] : memref<256x1024xf32, #tpu.memory_space<vmem>>, vector<256x1024xf32>
    %mul3A_23 = vector.broadcast %get3A_4 : vector<256x1xf32> to vector<256x1024xf32>
    %mul3A_24 = arith.mulf %mul3A_23, %get3A_22 : vector<256x1024xf32>
    %add3A_25 = arith.addf %add3A_19, %mul3A_24 : vector<256x1024xf32>
    %swap3A = arith.constant 0 : index
    %swap3A_26 = arith.constant 0 : index
    %swap3A_27 = vector.load %arg7[%swap3A, %swap3A_26] : memref<256x1024xf32, #tpu.memory_space<vmem>>, vector<256x1024xf32>
    tpu.vector_store %arg7[%swap3A, %swap3A_26], %add3A_25 {strides = array<i32>} : memref<256x1024xf32, #tpu.memory_space<vmem>>, vector<256x1024xf32>,
    return
  }
  func.func @transform_0(%arg0: i32) -> (i32, i32) {
    %c0_i32 = arith.constant 0 : i32
    %c0_i32_0 = arith.constant 0 : i32
    return %arg0, %c0_i32 : i32, i32
  }
  func.func @transform_1(%arg0: i32) -> (i32, i32) {
    %min3A = arith.constant 3 : i32
    %min3A_0 = arith.minsi %arg0, %min3A : i32
    %c0_i32 = arith.constant 0 : i32
    %c0_i32_1 = arith.constant 0 : i32
    return %min3A_0, %c0_i32 : i32, i32
  }
  func.func @transform_2(%arg0: i32) -> (i32, i32) {
    %sub3A = arith.constant 4 : i32
    %sub3A_0 = arith.subi %arg0, %sub3A : i32
    %max3A = arith.constant 0 : i32
    %max3A_1 = arith.maxsi %sub3A_0, %max3A : i32
    %c0_i32 = arith.constant 0 : i32
    %c0_i32_2 = arith.constant 0 : i32
    return %max3A_1, %c0_i32 : i32, i32
  }
  func.func @transform_3(%arg0: i32) -> (i32, i32) {
    %c0_i32 = arith.constant 0 : i32
    %c0_i32_0 = arith.constant 0 : i32
    return %arg0, %c0_i32 : i32, i32
  }
  func.func @transform_4(%arg0: i32) -> (i32, i32) {
    %c0_i32 = arith.constant 0 : i32
    %c0_i32_0 = arith.constant 0 : i32
    return %arg0, %c0_i32 : i32, i32
  }
  func.func @transform_5(%arg0: i32) -> (i32, i32) {
    %c0_i32 = arith.constant 0 : i32
    %c0_i32_0 = arith.constant 0 : i32
    return %arg0, %c0_i32 : i32, i32
  }
  func.func @transform_6(%arg0: i32) -> (i32, i32) {
    %c0_i32 = arith.constant 0 : i32
    %c0_i32_0 = arith.constant 0 : i32
    return %arg0, %c0_i32 : i32, i32
  }
}

</mosaic_0001>

<sc_bundles>
// kernel: kernel.12.cloned.1.call-start
scs
__scs_entry_jumppad:
0x0: {  	(pc) =	sbr.rel $0x88, $3  }
0x1: {  	(tag) =	ssettag $0x0;
	lr =	simm.s32 $0x1  }
0x2: {  	[smem:$0x3F97] =	sst lr;
	_ =	strace $0xD0000000  }
0x3: {  	_ = 	snop  }
0x4: {  	_ = 	snop  }
0x5: {  	_ = 	snop  }
0x6: {  	_ = 	snop  }
0x7: {  	_ = 	snop  }
__scs_overlays_trampoline_lowered:
0x8: {  	[smem:$0x3FA6] =	sst s0  }
0x9: {  	[smem:$0x3FA7] =	sst s1  }
0xa: {  	[smem:$0x3FA8] =	sst s2  }
0xb: {  	[smem:$0x3FA9] =	sst s3  }
0xc: {  	[smem:$0x3FAA] =	sst s4  }
0xd: {  	[smem:$0x3FAB] =	sst s5  }
0xe: {  	[smem:$0x3FAC] =	sst s6  }
0xf: {  	[smem:$0x3FAD] =	sst s7  }
0x10: {  	[smem:$0x3FAE] =	sst s8  }
0x11: {  	[smem:$0x3FAF] =	sst s9;
	s0 =	simm.s32 @!p0 $0x0  }
0x12: {  	s1 =	sld [smem:$0x3F95];
	s0 =	simm.s32 @p0 $0x1  }
0x13: {  	[smem:$0x3FB0] =	sst s0;
	s0 =	simm.s32 @!p1 $0x0  }
0x14: {  	s2 =	sld [smem:$0x3F94];
	s0 =	simm.s32 @p1 $0x1  }
0x15: {  	[smem:$0x3FB1] =	sst s0;
	s0 =	simm.s32 @!p2 $0x0  }
0x16: {  	s3 =	sld [smem:$0x3FDB];
	s0 =	simm.s32 @p2 $0x1  }
0x17: {  	s4 =	simm.s32 $0x1BF5;
	[smem:$0x3FB3] =	sst s0  }
0x18: {  	s0 =	sld [smem:$0x3F96];
	_ =	swait.ge [sflag:s4], $0x0  }
0x19: {  	s7 =	sld [smem:$0x3F97]  }
0x1a: {  	s8 =	sadd.s32 $0xFFFFE003, lr  }
0x1b: {  	s9 =	sadd.s32 $0xFFFFFEF7, lr;
	s5 =	simm.s32 $0xFFFFFFFF;
	p2 =	slt.u32 s8, $0xFFFFF086  }
0x1c: {  	p1 =	slt.u32 s9, $0xF7A;
	s5 =	simm.s32 @!p2 $0x0  }
0x1d: {  	s5 =	simm.s32 @p1 $0x1;
	p0 =	seq.s32 s7, s2  }
0x1e: {  	s7 =	smul.u32 @!p0 $0xF7A, s2;
	p2 =	seq.s32 @!p0 s5, $0x0  }
0x1f: {  	s9 =	smul.u32 $0xF7A, s1;
	s8 =	simm.s32 @!p0 $0x1BF5;
	p2 =	por !p2, p0  }
0x20: {  	[sflag:s8] =	ssyncset.s32 @!p0 $0xFFFFF086;
	s6 =	sadd.s32 @!p0 s3, s7;
	s7 =	simm.s32 @!p0 $0x108  }
0x21: {  	s3 =	sadd.s32 s3, s9;
	s6 =	sadd.s32 @!p0 $0x88, s6;
	s7 =	simm.s32 @p2 $0x1082  }
0x22: {  	[simem:s7], [sflag:s8] =	dma.local @!p0 [hbm:s6], $0xF7A  }
0x23: {  	s9 =	sor.u32 $0xD0000000, s2;
	s6 =	simm.s32 $0x108;
	_ =	swait.ge @!p0 [sflag:s8], $0x0  }
0x24: {  	s3 =	sadd.s32 $0x88, s3;
	s6 =	simm.s32 @!p1 $0x1082;
	[sflag:s4] =	ssyncset.s32 $0xFFFFF086  }
0x25: {  	[simem:s6], [sflag:s4] =	dma.local [hbm:s3], $0xF7A  }
0x26: {  	[smem:$0x3F97] =	sst s1;
	(tag) =	ssettag s2;
	_ =	strace s9  }
0x27: {  	s1 =	sld [smem:$0x3FA7]  }
0x28: {  	s2 =	sld [smem:$0x3FA8]  }
0x29: {  	s4 =	sld [smem:$0x3FAA]  }
0x2a: {  	p0 =	seq.s32 s5, $0x0;
	s5 =	sld [smem:$0x3FAB]  }
0x2b: {  	s6 =	sld [smem:$0x3FAC]  }
0x2c: {  	s7 =	sld [smem:$0x3FAD]  }
0x2d: {  	s3 =	simm.s32 $0x108;
	s8 =	sld [smem:$0x3FAE]  }
0x2e: {  	s3 =	simm.s32 @!p0 $0x1082;
	s9 =	sld [smem:$0x3FAF]  }
0x2f: {  	lr =	sadd.s32 s0, s3;
	s0 =	sld [smem:$0x3FA6]  }
0x30: {  	s3 =	sld [smem:$0x3FA9]  }
0x31: {  	[smem:$0x3FB2] =	sst s10  }
0x32: {  	s10 =	sld [smem:$0x3FB0];
	_ =	sdelay $0x3  }
0x33: {  	p0 =	seq.s32 s10, $0x1;
	s10 =	sld [smem:$0x3FB2];
	_ =	sdelay $0x3  }
0x34: {  	[smem:$0x3FB2] =	sst s10  }
0x35: {  	s10 =	sld [smem:$0x3FB1];
	_ =	sdelay $0x3  }
0x36: {  	p1 =	seq.s32 s10, $0x1;
	s10 =	sld [smem:$0x3FB2];
	_ =	sdelay $0x3  }
0x37: {  	[smem:$0x3FB2] =	sst s10  }
0x38: {  	s10 =	sld [smem:$0x3FB3]  }
0x39: {  	_ = 	snop;
	(pc) =	sbr.ind lr, $3  }
0x3a: {  	_ = 	snop  }
0x3b: {  	_ = 	snop  }
0x3c: {  	p2 =	seq.s32 s10, $0x1;
	s10 =	sld [smem:$0x3FB2]  }
0x3d: {  	_ =	shalt  }
0x3e: {  	_ =	shalt  }
0x3f: {  	_ =	shalt  }
0x40: {  	_ =	shalt  }
0x41: {  	_ =	shalt  }
0x42: {  	_ =	shalt  }
0x43: {  	_ =	shalt  }
0x44: {  	_ =	shalt  }
0x45: {  	_ =	shalt  }
0x46: {  	_ =	shalt  }
0x47: {  	_ =	shalt  }
0x48: {  	_ =	shalt  }
0x49: {  	_ =	shalt  }
0x4a: {  	_ =	shalt  }
0x4b: {  	_ =	shalt  }
0x4c: {  	_ =	shalt  }
0x4d: {  	_ =	shalt  }
0x4e: {  	_ =	shalt  }
0x4f: {  	_ =	shalt  }
0x50: {  	_ =	shalt  }
0x51: {  	_ =	shalt  }
0x52: {  	_ =	shalt  }
0x53: {  	_ =	shalt  }
0x54: {  	_ =	shalt  }
0x55: {  	_ =	shalt  }
0x56: {  	_ =	shalt  }
0x57: {  	_ =	shalt  }
0x58: {  	_ =	shalt  }
0x59: {  	_ =	shalt  }
0x5a: {  	_ =	shalt  }
0x5b: {  	_ =	shalt  }
0x5c: {  	_ =	shalt  }
0x5d: {  	_ =	shalt  }
0x5e: {  	_ =	shalt  }
0x5f: {  	_ =	shalt  }
0x60: {  	_ =	shalt  }
0x61: {  	_ =	shalt  }
0x62: {  	_ =	shalt  }
0x63: {  	_ =	shalt  }
0x64: {  	_ =	shalt  }
0x65: {  	_ =	shalt  }
0x66: {  	_ =	shalt  }
0x67: {  	_ =	shalt  }
0x68: {  	_ =	shalt  }
0x69: {  	_ =	shalt  }
0x6a: {  	_ =	shalt  }
0x6b: {  	_ =	shalt  }
0x6c: {  	_ =	shalt  }
0x6d: {  	_ =	shalt  }
0x6e: {  	_ =	shalt  }
0x6f: {  	_ =	shalt  }
0x70: {  	_ =	shalt  }
0x71: {  	_ =	shalt  }
0x72: {  	_ =	shalt  }
0x73: {  	_ =	shalt  }
0x74: {  	_ =	shalt  }
0x75: {  	_ =	shalt  }
0x76: {  	_ =	shalt  }
0x77: {  	_ =	shalt  }
0x78: {  	_ =	shalt  }
0x79: {  	_ =	shalt  }
0x7a: {  	_ =	shalt  }
0x7b: {  	_ =	shalt  }
0x7c: {  	_ =	shalt  }
0x7d: {  	_ =	shalt  }
0x7e: {  	_ =	shalt  }
0x7f: {  	_ =	shalt  }
0x80: {  	_ =	shalt  }
0x81: {  	_ =	shalt  }
0x82: {  	_ =	shalt  }
0x83: {  	_ =	shalt  }
0x84: {  	_ =	shalt  }
0x85: {  	_ =	shalt  }
0x86: {  	_ =	shalt  }
0x87: {  	_ =	shalt  }
.Lfunc_end0:
.L_simem_size_0:
called_computation.1_lowered:
.L_overlay_start_0:
0x88: {  	s2 =	sld [smem:$0x3FD9]  }
0x89: {  	s3 =	sld [smem:$0x3FFE];
	_ =	sdelay $0x1  }
0x8a: {  	s1 =	srdreg.scid  }
0x8b: {  	s0 =	sand.u32 $0x1, s1  }
0x8c: {  	s16 =	sshll.u32 s0, $0xA;
	s2 =	sadd.s32 s3, s2  }
0x8d: {  	s2 =	sadd.s32 s2, s16  }
0x8e: {  	[smem:$0x3FBE] =	sst s2  }
0x8f: {  	_ = 	snop  }
0x90: {  	(tm) =	ssettm $0x1  }
0x91: {  	s17 =	sld [smem:$0x3FFB];
	_ =	sdelay $0x3  }
0x92: {  	_ =	strace s17  }
0x93: {  	s2 =	sld [smem:$0x3FFC];
	_ =	sdelay $0x3  }
0x94: {  	_ =	strace s2  }
0x95: {  	s2 =	sld [smem:$0x3FFD];
	_ =	sdelay $0x3  }
0x96: {  	_ =	strace s2  }
0x97: {  	_ =	strace $0x8FFFFFFF  }
0x98: {  	s18 =	sld [smem:$0x3FDB];
	_ =	sdelay $0x1  }
0x99: {  	s19 =	simm.s32 $_scs_section_size  }
0x9a: {  	s4 =	simm.s32 $_size__tile_overlayer_lowered;
	s5 =	simm.s32 $_tile_overlayer_lowered  }
0x9b: {  	s22 =	simm.s32 $0x1BFF;
	s21 =	sshll.u32 s5, $0x1;
	s2 =	sadd.s32 s19, s18  }
0x9c: {  	s6 =	simm.s32 $0x0;
	s20 =	sshll.u32 s4, $0x1;
	s4 =	sadd.s32 s21, s2  }
0x9d: {  	[timem:s6], [sflag:s22] =	dma.local [hbm:s4], s20  }
0x9e: {  	_ =	swait.ge [sflag:s22], s20  }
0x9f: {  	s3 =	ssub.s32 $0x0, s20;
	[sflag:s22] =	ssyncset.done $0x0  }
0xa0: {  	[sflag:s22] =	ssyncadd.s32 s3;
	_ =	sdelay $0x1  }
0xa1: {  	s23 =	simm.s32 $0x1B8B  }
0xa2: {  	_ =	swait.ge [sflag:s23], $0x1  }
0xa3: {  	[sflag:s23] =	ssyncset.done $0x0  }
0xa4: {  	s25 =	simm.s32 $0x1B8E;
	s24 =	sld [smem:$0x3FFE];
	[sflag:s23] =	ssyncadd.s32 $0xFFFFFFFF  }
0xa5: {  	s26 =	simm.s32 $execute0_lowered;
	[smem:$0x3FD2] =	sst s25  }
0xa6: {  	s4 =	sshll.u32 s26, $0x1;
	_ =	strace $0x80000049;
	[dreg:$0x1] =	wrdreg $0xFFFFFFFF  }
0xa7: {  	s28 =	simm.s32 $_size_execute0_lowered;
	s2 =	sadd.s32 s2, s4;
	[dreg:$0x0] =	wrdreg $0x0  }
0xa8: {  	s4 =	sshll.u32 s28, $0x1;
	[dreg:$0x2] =	wrdreg s2  }
0xa9: {  	[dreg:$0x3] =	wrdreg s4  }
0xaa: {  	[dreg:$0x4] =	wrdreg $0xC0  }
0xab: {  	_ =	task [dreg:s6], $0x5FFFF  }
0xac: {  	[dreg:$0x1] =	wrdreg $0xFFFFFFFF  }
0xad: {  	[dreg:$0x0] =	wrdreg $0x60  }
0xae: {  	[dreg:$0x2] =	wrdreg s24  }
0xaf: {  	[dreg:$0x3] =	wrdreg $0x9  }
0xb0: {  	_ =	task.clear_ibuf [dreg:s6], $0x4FFFF;
	_ =	strace $0x90000049  }
0xb1: {  	s29 =	simm.s32 $0x9;
	_ =	strace $0x8000004B  }
0xb2: {  	_ =	swait.ge [sflag:s29], $0x1  }
0xb3: {  	[sflag:s29] =	ssyncadd.s32 $0xFFFFFFFF  }
0xb4: {  	_ =	strace $0x9000004B  }
0xb5: {  	_ =	sfence  }
0xb6: {  	s30 =	sld [smem:$0x0];
	_ =	sdelay $0x2  }
0xb7: {  	s31 =	sshll.u32 s1, $0xD;
	s1 =	sshrl.u32 s1, $0x2  }
0xb8: {  	s3 =	sand.u32 $0x4000, s31;
	s1 =	sadd.s32 s1, s30  }
0xb9: {  	s0 =	sor.u32 s3, s0;
	s1 =	sshll.u32 s1, $0x11  }
0xba: {  	s0 =	sor.u32 s1, s0  }
0xbb: {  	s0 =	sadd.s32 $0x8F2B, s0  }
0xbc: {  	[sflag:s0] =	ssyncadd.remote.s32 $0x1  }
0xbd: {  	_ =	sfence.sel $0xFFFF  }
0xbe: {  	[dreg:$0x0] =	wrdreg $0xFFFFFFFF;
	(pc) =	sbr.abs _section_cstart, $3  }
0xbf: {  	[dreg:$0x1] =	wrdreg $0xFFFFFFFF  }
0xc0: {  	_ =	task.clear_ibuf [dreg:s6], $0x2FFFF;
	_ =	strace $0x9FFFFFFF  }
0xc1: {  	(tm) =	ssettm $0x7FFFFFFF  }
tec
execute0_lowered:
.L_overlay_start_1:
0x0: {  	(tag) =	ssettag $0x1  }
0x1: {  	s0 =	rddreg [dreg:$0x0];
	s1 =	srdreg.scid  }
0x2: {  	s2 =	simm.s32 $0x0;
	s3 =	stileid.u32;
	s18 =	simm.s32 $0x1  }
0x3: {  	s20 =	simm.s32 $0x880;
	s21 =	simm.s32 $0x1080;
	s22 =	simm.s32 $0x1880  }
0x4: {  	s28 =	simm.s32 $0x4080;
	s29 =	simm.s32 $0x4880;
	s30 =	simm.s32 $0x5080  }
0x5: {  	s31 =	simm.s32 $0x5880;
	s10 =	simm.s32 $0x7080;
	s11 =	simm.s32 $0x7880  }
0x6: {  	s12 =	simm.s32 $0x8080;
	s13 =	simm.s32 $0x8880;
	s14 =	simm.s32 $0x9080  }
0x7: {  	s15 =	simm.s32 $0x9880;
	s16 =	simm.s32 $0xA080;
	s17 =	simm.s32 $0xA880  }
0x8: {  	s9 =	simm.s32 $0xB080;
	s1 =	sand.u32 $0x1, s1;
	[smem:$0x7FF] =	sst s2  }
0x9: {  	s3 =	sshll.u32 s3, $0x7;
	s4 =	sshll.u32 s1, $0x6;
	_ =	strace $0x8000004A  }
0xa: {  	s1 =	ssub.s32 $0x2, s1;
	s4 =	sor.u32 s4, s3;
	s3 =	sadd.s32 $0x103C00, s0  }
0xb: {  	s23 =	sshrl.u32 s1, $0x1;
	s5 =	sshrl.u32 s4, $0x3;
	s4 =	sshll.u32 s4, $0x7  }
0xc: {  	s1 =	ssub.s32 s1, s23;
	s23 =	simm.s32 $0x2080;
	s6 =	sadd.s32 s5, s0  }
0xd: {  	s7 =	sadd.s32 s4, s0;
	s4 =	sadd.s32 $0x103D00, s0;
	s24 =	sadd.s32 $0x3A00, s6  }
0xe: {  	s5 =	sadd.s32 $0x103E00, s0;
	s8 =	sadd.s32 $0x3C00, s7;
	[dreg:$0x2] =	wrdreg s24  }
0xf: {  	s25 =	sadd.s32 $0x3800, s6;
	s6 =	sadd.s32 $0x103F00, s0;
	[dreg:$0x3] =	wrdreg s8  }
0x10: {  	v2 =	vlaneseq.u32;
	s26 =	sadd.s32 $0x43C00, s7;
	s7 =	smax.u32 s1, $0x1;
	[dreg:$0x4] =	wrdreg s25  }
0x11: {  	vm0 =	vmmov $0xffff;
	v1 =	vshrl.u32 v2, $0x3;
	s0 =	simm.s32 $0x80;
	[dreg:$0x5] =	wrdreg s26;
	s8 =	simm.s32 $0x2  }
0x12: {  	v0 =	vand.u32 $0x7, v2;
	v2 =	vor.u32 $0x8, v2;
	v1 =	vmul.u32 $0x8, v1;
	s24 =	simm.s32 $0x2880;
	s25 =	simm.s32 $0x3080;
	s26 =	simm.s32 $0x3880  }
.LBB2_1:
0x13: {  	s19 =	rddreg [dreg:$0x2]  }
0x14: {  	[tilespmem:s2], [sflag:$0x2] =	stream.linear.gather [hbm4b:s19+s2], $0x40, $0x38;
	[tilespmem:$0x10080] =	vst v63  }
0x15: {  	_ =	swait.ge [sflag:s8], $0x40  }
0x16: {  	[sflag:s8] =	ssyncset.done $0x0  }
0x17: {  	[sflag:s8] =	ssyncadd.s32 $0xFFFFFFC0  }
0x18: {  	v3 =	vld [tilespmem:$0x0];
	_ =	sdelay $0x4  }
0x19: {  	v4 =	vshll.u32 v3, $0x3  }
0x1a: {  	v3 =	vand.u32 $0x7, v3;
	v4 =	vand.u32 $0xFFFFFFC0, v4  }
0x1b: {  	v3 =	vor.u32 v3, v4  }
0x1c: {  	v4 =	vperm.xlane v3, v0;
	_ =	sdelay $0x1  }
0x1d: {  	v4 =	vadd.s32 v1, v4;
	_ =	sdelay $0x4  }
0x1e: {  	[tilespmem:s0], [sflag:$0x1] =	stream.indirect_vreg.gather [hbm4b:s3+s2], $0x80, v4, vm0, $0xb8;
	[tilespmem:$0x10080] =	vst v63  }
0x1f: {  	v3 =	vperm.xlane v3, v2  }
0x20: {  	[tilespmem:s20], [sflag:$0x1] =	stream.indirect_vreg.gather [hbm4b:s4+s2], $0x80, v4, vm0, $0xb8;
	[tilespmem:$0x10080] =	vst v63  }
0x21: {  	v3 =	vadd.s32 v1, v3  }
0x22: {  	[tilespmem:s21], [sflag:$0x1] =	stream.indirect_vreg.gather [hbm4b:s5+s2], $0x80, v4, vm0, $0xb8;
	[tilespmem:$0x10080] =	vst v63  }
0x23: {  	_ = 	snop  }
0x24: {  	[tilespmem:s22], [sflag:$0x1] =	stream.indirect_vreg.gather [hbm4b:s6+s2], $0x80, v4, vm0, $0xb8;
	[tilespmem:$0x10080] =	vst v63  }
0x25: {  	_ = 	snop  }
0x26: {  	[tilespmem:s23], [sflag:$0x1] =	stream.indirect_vreg.gather [hbm4b:s3+s2], $0x80, v3, vm0, $0xb8;
	[tilespmem:$0x10080] =	vst v63  }
0x27: {  	_ = 	snop  }
0x28: {  	[tilespmem:s24], [sflag:$0x1] =	stream.indirect_vreg.gather [hbm4b:s4+s2], $0x80, v3, vm0, $0xb8;
	[tilespmem:$0x10080] =	vst v63  }
0x29: {  	_ = 	snop  }
0x2a: {  	[tilespmem:s25], [sflag:$0x1] =	stream.indirect_vreg.gather [hbm4b:s5+s2], $0x80, v3, vm0, $0xb8;
	[tilespmem:$0x10080] =	vst v63  }
0x2b: {  	_ = 	snop  }
0x2c: {  	[tilespmem:s26], [sflag:$0x1] =	stream.indirect_vreg.gather [hbm4b:s6+s2], $0x80, v3, vm0, $0xb8;
	[tilespmem:$0x10080] =	vst v63  }
0x2d: {  	v3 =	vld [tilespmem:$0x10];
	_ =	sdelay $0x4  }
0x2e: {  	v57 =	vshll.u32 v3, $0x3  }
0x2f: {  	v3 =	vand.u32 $0x7, v3;
	v4 =	vand.u32 $0xFFFFFFC0, v57  }
0x30: {  	v3 =	vor.u32 v3, v4  }
0x31: {  	v4 =	vperm.xlane v3, v0;
	_ =	sdelay $0x1  }
0x32: {  	v4 =	vadd.s32 v1, v4;
	_ =	sdelay $0x4  }
0x33: {  	[tilespmem:s28], [sflag:$0x1] =	stream.indirect_vreg.gather [hbm4b:s3+s2], $0x80, v4, vm0, $0xb8;
	[tilespmem:$0x10080] =	vst v63  }
0x34: {  	v3 =	vperm.xlane v3, v2  }
0x35: {  	[tilespmem:s29], [sflag:$0x1] =	stream.indirect_vreg.gather [hbm4b:s4+s2], $0x80, v4, vm0, $0xb8;
	[tilespmem:$0x10080] =	vst v63  }
0x36: {  	v3 =	vadd.s32 v1, v3  }
0x37: {  	[tilespmem:s30], [sflag:$0x1] =	stream.indirect_vreg.gather [hbm4b:s5+s2], $0x80, v4, vm0, $0xb8;
	[tilespmem:$0x10080] =	vst v63  }
0x38: {  	_ = 	snop  }
0x39: {  	[tilespmem:s31], [sflag:$0x1] =	stream.indirect_vreg.gather [hbm4b:s6+s2], $0x80, v4, vm0, $0xb8;
	[tilespmem:$0x10080] =	vst v63  }
0x3a: {  	s1 =	simm.s32 $0x6080  }
0x3b: {  	[tilespmem:s1], [sflag:$0x1] =	stream.indirect_vreg.gather [hbm4b:s3+s2], $0x80, v3, vm0, $0xb8;
	[tilespmem:$0x10080] =	vst v63  }
0x3c: {  	s1 =	simm.s32 $0x6880  }
0x3d: {  	[tilespmem:s1], [sflag:$0x1] =	stream.indirect_vreg.gather [hbm4b:s4+s2], $0x80, v3, vm0, $0xb8;
	[tilespmem:$0x10080] =	vst v63  }
0x3e: {  	_ = 	snop  }
0x3f: {  	[tilespmem:s10], [sflag:$0x1] =	stream.indirect_vreg.gather [hbm4b:s5+s2], $0x80, v3, vm0, $0xb8;
	[tilespmem:$0x10080] =	vst v63  }
0x40: {  	_ = 	snop  }
0x41: {  	[tilespmem:s11], [sflag:$0x1] =	stream.indirect_vreg.gather [hbm4b:s6+s2], $0x80, v3, vm0, $0xb8;
	[tilespmem:$0x10080] =	vst v63  }
0x42: {  	v3 =	vld [tilespmem:$0x20];
	_ =	sdelay $0x4  }
0x43: {  	v58 =	vshll.u32 v3, $0x3  }
0x44: {  	v3 =	vand.u32 $0x7, v3;
	v4 =	vand.u32 $0xFFFFFFC0, v58  }
0x45: {  	v3 =	vor.u32 v3, v4  }
0x46: {  	v4 =	vperm.xlane v3, v0;
	_ =	sdelay $0x1  }
0x47: {  	v4 =	vadd.s32 v1, v4;
	_ =	sdelay $0x4  }
0x48: {  	[tilespmem:s12], [sflag:$0x1] =	stream.indirect_vreg.gather [hbm4b:s3+s2], $0x80, v4, vm0, $0xb8;
	[tilespmem:$0x10080] =	vst v63  }
0x49: {  	v3 =	vperm.xlane v3, v2  }
0x4a: {  	[tilespmem:s13], [sflag:$0x1] =	stream.indirect_vreg.gather [hbm4b:s4+s2], $0x80, v4, vm0, $0xb8;
	[tilespmem:$0x10080] =	vst v63  }
0x4b: {  	v3 =	vadd.s32 v1, v3  }
0x4c: {  	[tilespmem:s14], [sflag:$0x1] =	stream.indirect_vreg.gather [hbm4b:s5+s2], $0x80, v4, vm0, $0xb8;
	[tilespmem:$0x10080] =	vst v63  }
0x4d: {  	_ = 	snop  }
0x4e: {  	[tilespmem:s15], [sflag:$0x1] =	stream.indirect_vreg.gather [hbm4b:s6+s2], $0x80, v4, vm0, $0xb8;
	[tilespmem:$0x10080] =	vst v63  }
0x4f: {  	_ = 	snop  }
0x50: {  	[tilespmem:s16], [sflag:$0x1] =	stream.indirect_vreg.gather [hbm4b:s3+s2], $0x80, v3, vm0, $0xb8;
	[tilespmem:$0x10080] =	vst v63  }
0x51: {  	_ = 	snop  }
0x52: {  	[tilespmem:s17], [sflag:$0x1] =	stream.indirect_vreg.gather [hbm4b:s4+s2], $0x80, v3, vm0, $0xb8;
	[tilespmem:$0x10080] =	vst v63  }
0x53: {  	_ = 	snop  }
0x54: {  	[tilespmem:s9], [sflag:$0x1] =	stream.indirect_vreg.gather [hbm4b:s5+s2], $0x80, v3, vm0, $0xb8;
	[tilespmem:$0x10080] =	vst v63  }
0x55: {  	s19 =	simm.s32 $0xB880  }
0x56: {  	[tilespmem:s19], [sflag:$0x1] =	stream.indirect_vreg.gather [hbm4b:s6+s2], $0x80, v3, vm0, $0xb8;
	[tilespmem:$0x10080] =	vst v63  }
0x57: {  	v3 =	vld [tilespmem:$0x30];
	_ =	sdelay $0x4  }
0x58: {  	v59 =	vshll.u32 v3, $0x3  }
0x59: {  	v3 =	vand.u32 $0x7, v3;
	v4 =	vand.u32 $0xFFFFFFC0, v59  }
0x5a: {  	v3 =	vor.u32 v3, v4  }
0x5b: {  	v4 =	vperm.xlane v3, v0;
	_ =	sdelay $0x1  }
0x5c: {  	v4 =	vadd.s32 v1, v4;
	_ =	sdelay $0x3  }
0x5d: {  	s19 =	simm.s32 $0xC080  }
0x5e: {  	[tilespmem:s19], [sflag:$0x1] =	stream.indirect_vreg.gather [hbm4b:s3+s2], $0x80, v4, vm0, $0xb8;
	[tilespmem:$0x10080] =	vst v63  }
0x5f: {  	v3 =	vperm.xlane v3, v2;
	s19 =	simm.s32 $0xC880  }
0x60: {  	[tilespmem:s19], [sflag:$0x1] =	stream.indirect_vreg.gather [hbm4b:s4+s2], $0x80, v4, vm0, $0xb8;
	[tilespmem:$0x10080] =	vst v63  }
0x61: {  	v3 =	vadd.s32 v1, v3;
	s19 =	simm.s32 $0xD080  }
0x62: {  	[tilespmem:s19], [sflag:$0x1] =	stream.indirect_vreg.gather [hbm4b:s5+s2], $0x80, v4, vm0, $0xb8;
	[tilespmem:$0x10080] =	vst v63  }
0x63: {  	s19 =	simm.s32 $0xD880  }
0x64: {  	[tilespmem:s19], [sflag:$0x1] =	stream.indirect_vreg.gather [hbm4b:s6+s2], $0x80, v4, vm0, $0xb8;
	[tilespmem:$0x10080] =	vst v63  }
0x65: {  	s19 =	simm.s32 $0xE080  }
0x66: {  	[tilespmem:s19], [sflag:$0x1] =	stream.indirect_vreg.gather [hbm4b:s3+s2], $0x80, v3, vm0, $0xb8;
	[tilespmem:$0x10080] =	vst v63  }
0x67: {  	s19 =	simm.s32 $0xE880  }
0x68: {  	[tilespmem:s19], [sflag:$0x1] =	stream.indirect_vreg.gather [hbm4b:s4+s2], $0x80, v3, vm0, $0xb8;
	[tilespmem:$0x10080] =	vst v63  }
0x69: {  	s19 =	simm.s32 $0xF080  }
0x6a: {  	[tilespmem:s19], [sflag:$0x1] =	stream.indirect_vreg.gather [hbm4b:s5+s2], $0x80, v3, vm0, $0xb8;
	[tilespmem:$0x10080] =	vst v63  }
0x6b: {  	s19 =	simm.s32 $0xF880  }
0x6c: {  	[tilespmem:s19], [sflag:$0x1] =	stream.indirect_vreg.gather [hbm4b:s6+s2], $0x80, v3, vm0, $0xb8;
	[tilespmem:$0x10080] =	vst v63  }
0x6d: {  	_ =	swait.ge [sflag:s18], $0x10000  }
0x6e: {  	[sflag:s18] =	ssyncset.done $0x0  }
0x6f: {  	s19 =	rddreg [dreg:$0x3];
	[sflag:s18] =	ssyncadd.s32 $0xFFFF0000  }
0x70: {  	[hbm4b:s19+s2] =	stream.linear.scatter [tilespmem:s0], [sflag:$0x2], $0x10000, $0x38;
	[tilespmem:$0x10080] =	vst v63  }
0x71: {  	_ =	swait.ge [sflag:s8], $0x10000  }
0x72: {  	[sflag:s8] =	ssyncset.done $0x0  }
0x73: {  	s19 =	rddreg [dreg:$0x4];
	[sflag:s8] =	ssyncadd.s32 $0xFFFF0000  }
0x74: {  	[tilespmem:s2], [sflag:$0x2] =	stream.linear.gather [hbm4b:s19+s2], $0x40, $0x38;
	[tilespmem:$0x10080] =	vst v63  }
0x75: {  	_ =	swait.ge [sflag:s8], $0x40  }
0x76: {  	[sflag:s8] =	ssyncset.done $0x0  }
0x77: {  	[sflag:s8] =	ssyncadd.s32 $0xFFFFFFC0  }
0x78: {  	v3 =	vld [tilespmem:$0x0];
	_ =	sdelay $0x4  }
0x79: {  	v60 =	vshll.u32 v3, $0x3  }
0x7a: {  	v3 =	vand.u32 $0x7, v3;
	v4 =	vand.u32 $0xFFFFFFC0, v60  }
0x7b: {  	v3 =	vor.u32 v3, v4  }
0x7c: {  	v4 =	vperm.xlane v3, v0;
	_ =	sdelay $0x1  }
0x7d: {  	v4 =	vadd.s32 v1, v4;
	_ =	sdelay $0x4  }
0x7e: {  	[tilespmem:s0], [sflag:$0x1] =	stream.indirect_vreg.gather [hbm4b:s3+s2], $0x80, v4, vm0, $0xb8;
	[tilespmem:$0x10080] =	vst v63  }
0x7f: {  	v3 =	vperm.xlane v3, v2  }
0x80: {  	[tilespmem:s20], [sflag:$0x1] =	stream.indirect_vreg.gather [hbm4b:s4+s2], $0x80, v4, vm0, $0xb8;
	[tilespmem:$0x10080] =	vst v63  }
0x81: {  	v3 =	vadd.s32 v1, v3  }
0x82: {  	[tilespmem:s21], [sflag:$0x1] =	stream.indirect_vreg.gather [hbm4b:s5+s2], $0x80, v4, vm0, $0xb8;
	[tilespmem:$0x10080] =	vst v63  }
0x83: {  	_ = 	snop  }
0x84: {  	[tilespmem:s22], [sflag:$0x1] =	stream.indirect_vreg.gather [hbm4b:s6+s2], $0x80, v4, vm0, $0xb8;
	[tilespmem:$0x10080] =	vst v63  }
0x85: {  	_ = 	snop  }
0x86: {  	[tilespmem:s23], [sflag:$0x1] =	stream.indirect_vreg.gather [hbm4b:s3+s2], $0x80, v3, vm0, $0xb8;
	[tilespmem:$0x10080] =	vst v63  }
0x87: {  	_ = 	snop  }
0x88: {  	[tilespmem:s24], [sflag:$0x1] =	stream.indirect_vreg.gather [hbm4b:s4+s2], $0x80, v3, vm0, $0xb8;
	[tilespmem:$0x10080] =	vst v63  }
0x89: {  	_ = 	snop  }
0x8a: {  	[tilespmem:s25], [sflag:$0x1] =	stream.indirect_vreg.gather [hbm4b:s5+s2], $0x80, v3, vm0, $0xb8;
	[tilespmem:$0x10080] =	vst v63  }
0x8b: {  	_ = 	snop  }
0x8c: {  	[tilespmem:s26], [sflag:$0x1] =	stream.indirect_vreg.gather [hbm4b:s6+s2], $0x80, v3, vm0, $0xb8;
	[tilespmem:$0x10080] =	vst v63  }
0x8d: {  	v3 =	vld [tilespmem:$0x10];
	_ =	sdelay $0x4  }
0x8e: {  	v61 =	vshll.u32 v3, $0x3  }
0x8f: {  	v3 =	vand.u32 $0x7, v3;
	v4 =	vand.u32 $0xFFFFFFC0, v61  }
0x90: {  	v3 =	vor.u32 v3, v4  }
0x91: {  	v4 =	vperm.xlane v3, v0;
	_ =	sdelay $0x1  }
0x92: {  	v4 =	vadd.s32 v1, v4;
	_ =	sdelay $0x4  }
0x93: {  	[tilespmem:s28], [sflag:$0x1] =	stream.indirect_vreg.gather [hbm4b:s3+s2], $0x80, v4, vm0, $0xb8;
	[tilespmem:$0x10080] =	vst v63  }
0x94: {  	v3 =	vperm.xlane v3, v2  }
0x95: {  	[tilespmem:s29], [sflag:$0x1] =	stream.indirect_vreg.gather [hbm4b:s4+s2], $0x80, v4, vm0, $0xb8;
	[tilespmem:$0x10080] =	vst v63  }
0x96: {  	v3 =	vadd.s32 v1, v3  }
0x97: {  	[tilespmem:s30], [sflag:$0x1] =	stream.indirect_vreg.gather [hbm4b:s5+s2], $0x80, v4, vm0, $0xb8;
	[tilespmem:$0x10080] =	vst v63  }
0x98: {  	_ = 	snop  }
0x99: {  	[tilespmem:s31], [sflag:$0x1] =	stream.indirect_vreg.gather [hbm4b:s6+s2], $0x80, v4, vm0, $0xb8;
	[tilespmem:$0x10080] =	vst v63  }
0x9a: {  	s19 =	simm.s32 $0x6080  }
0x9b: {  	[tilespmem:s19], [sflag:$0x1] =	stream.indirect_vreg.gather [hbm4b:s3+s2], $0x80, v3, vm0, $0xb8;
	[tilespmem:$0x10080] =	vst v63  }
0x9c: {  	_ = 	snop  }
0x9d: {  	[tilespmem:s1], [sflag:$0x1] =	stream.indirect_vreg.gather [hbm4b:s4+s2], $0x80, v3, vm0, $0xb8;
	[tilespmem:$0x10080] =	vst v63  }
0x9e: {  	_ = 	snop  }
0x9f: {  	[tilespmem:s10], [sflag:$0x1] =	stream.indirect_vreg.gather [hbm4b:s5+s2], $0x80, v3, vm0, $0xb8;
	[tilespmem:$0x10080] =	vst v63  }
0xa0: {  	_ = 	snop  }
0xa1: {  	[tilespmem:s11], [sflag:$0x1] =	stream.indirect_vreg.gather [hbm4b:s6+s2], $0x80, v3, vm0, $0xb8;
	[tilespmem:$0x10080] =	vst v63  }
0xa2: {  	v3 =	vld [tilespmem:$0x20];
	_ =	sdelay $0x4  }
0xa3: {  	v62 =	vshll.u32 v3, $0x3  }
0xa4: {  	v3 =	vand.u32 $0x7, v3;
	v4 =	vand.u32 $0xFFFFFFC0, v62  }
0xa5: {  	v3 =	vor.u32 v3, v4  }
0xa6: {  	v4 =	vperm.xlane v3, v0;
	_ =	sdelay $0x1  }
0xa7: {  	v4 =	vadd.s32 v1, v4;
	_ =	sdelay $0x4  }
0xa8: {  	[tilespmem:s12], [sflag:$0x1] =	stream.indirect_vreg.gather [hbm4b:s3+s2], $0x80, v4, vm0, $0xb8;
	[tilespmem:$0x10080] =	vst v63  }
0xa9: {  	v3 =	vperm.xlane v3, v2  }
0xaa: {  	[tilespmem:s13], [sflag:$0x1] =	stream.indirect_vreg.gather [hbm4b:s4+s2], $0x80, v4, vm0, $0xb8;
	[tilespmem:$0x10080] =	vst v63  }
0xab: {  	v3 =	vadd.s32 v1, v3  }
0xac: {  	[tilespmem:s14], [sflag:$0x1] =	stream.indirect_vreg.gather [hbm4b:s5+s2], $0x80, v4, vm0, $0xb8;
	[tilespmem:$0x10080] =	vst v63  }
0xad: {  	_ = 	snop  }
0xae: {  	[tilespmem:s15], [sflag:$0x1] =	stream.indirect_vreg.gather [hbm4b:s6+s2], $0x80, v4, vm0, $0xb8;
	[tilespmem:$0x10080] =	vst v63  }
0xaf: {  	_ = 	snop  }
0xb0: {  	[tilespmem:s16], [sflag:$0x1] =	stream.indirect_vreg.gather [hbm4b:s3+s2], $0x80, v3, vm0, $0xb8;
	[tilespmem:$0x10080] =	vst v63  }
0xb1: {  	_ = 	snop  }
0xb2: {  	[tilespmem:s17], [sflag:$0x1] =	stream.indirect_vreg.gather [hbm4b:s4+s2], $0x80, v3, vm0, $0xb8;
	[tilespmem:$0x10080] =	vst v63  }
0xb3: {  	_ = 	snop  }
0xb4: {  	[tilespmem:s9], [sflag:$0x1] =	stream.indirect_vreg.gather [hbm4b:s5+s2], $0x80, v3, vm0, $0xb8;
	[tilespmem:$0x10080] =	vst v63  }
0xb5: {  	s19 =	simm.s32 $0xB880  }
0xb6: {  	[tilespmem:s19], [sflag:$0x1] =	stream.indirect_vreg.gather [hbm4b:s6+s2], $0x80, v3, vm0, $0xb8;
	[tilespmem:$0x10080] =	vst v63  }
0xb7: {  	v3 =	vld [tilespmem:$0x30];
	_ =	sdelay $0x4  }
0xb8: {  	v63 =	vshll.u32 v3, $0x3  }
0xb9: {  	v3 =	vand.u32 $0x7, v3;
	v4 =	vand.u32 $0xFFFFFFC0, v63  }
0xba: {  	v3 =	vor.u32 v3, v4  }
0xbb: {  	v4 =	vperm.xlane v3, v0;
	_ =	sdelay $0x1  }
0xbc: {  	v4 =	vadd.s32 v1, v4;
	_ =	sdelay $0x3  }
0xbd: {  	s19 =	simm.s32 $0xC080  }
0xbe: {  	[tilespmem:s19], [sflag:$0x1] =	stream.indirect_vreg.gather [hbm4b:s3+s2], $0x80, v4, vm0, $0xb8;
	[tilespmem:$0x10080] =	vst v63  }
0xbf: {  	v3 =	vperm.xlane v3, v2;
	s19 =	simm.s32 $0xC880  }
0xc0: {  	[tilespmem:s19], [sflag:$0x1] =	stream.indirect_vreg.gather [hbm4b:s4+s2], $0x80, v4, vm0, $0xb8;
	[tilespmem:$0x10080] =	vst v63  }
0xc1: {  	v3 =	vadd.s32 v1, v3;
	s19 =	simm.s32 $0xD080  }
0xc2: {  	[tilespmem:s19], [sflag:$0x1] =	stream.indirect_vreg.gather [hbm4b:s5+s2], $0x80, v4, vm0, $0xb8;
	[tilespmem:$0x10080] =	vst v63  }
0xc3: {  	s19 =	simm.s32 $0xD880  }
0xc4: {  	[tilespmem:s19], [sflag:$0x1] =	stream.indirect_vreg.gather [hbm4b:s6+s2], $0x80, v4, vm0, $0xb8;
	[tilespmem:$0x10080] =	vst v63  }
0xc5: {  	s19 =	simm.s32 $0xE080  }
0xc6: {  	[tilespmem:s19], [sflag:$0x1] =	stream.indirect_vreg.gather [hbm4b:s3+s2], $0x80, v3, vm0, $0xb8;
	[tilespmem:$0x10080] =	vst v63  }
0xc7: {  	s19 =	simm.s32 $0xE880  }
0xc8: {  	[tilespmem:s19], [sflag:$0x1] =	stream.indirect_vreg.gather [hbm4b:s4+s2], $0x80, v3, vm0, $0xb8;
	[tilespmem:$0x10080] =	vst v63  }
0xc9: {  	s19 =	simm.s32 $0xF080  }
0xca: {  	[tilespmem:s19], [sflag:$0x1] =	stream.indirect_vreg.gather [hbm4b:s5+s2], $0x80, v3, vm0, $0xb8;
	[tilespmem:$0x10080] =	vst v63  }
0xcb: {  	s19 =	simm.s32 $0xF880  }
0xcc: {  	[tilespmem:s19], [sflag:$0x1] =	stream.indirect_vreg.gather [hbm4b:s6+s2], $0x80, v3, vm0, $0xb8;
	[tilespmem:$0x10080] =	vst v63  }
0xcd: {  	_ =	swait.ge [sflag:s18], $0x10000  }
0xce: {  	p0 =	sne.s32 s7, $0x1;
	[sflag:s18] =	ssyncset.done $0x0  }
.Ltmp0:
0xcf: {  	s1 =	rddreg [dreg:$0x5];
	[sflag:s18] =	ssyncadd.s32 $0xFFFF0000;
	(pc) =	sbr.rel @p0 .LBB2_1-.Ltmp0, $4  }
0xd0: {  	[hbm4b:s1+s2] =	stream.linear.scatter [tilespmem:s0], [sflag:$0x2], $0x10000, $0x38;
	[tilespmem:$0x10080] =	vst v63  }
0xd1: {  	_ =	swait.ge [sflag:s8], $0x10000  }
0xd2: {  	[sflag:s8] =	ssyncset.done $0x0  }
0xd3: {  	s7 =	sadd.s32 $0xFFFFFFFF, s7;
	[sflag:s8] =	ssyncadd.s32 $0xFFFF0000  }
0xd4: {  	_ =	sfence.sel $0x180000  }
0xd5: {  	[bflag:$0x0] =	sbarrier.arrive $0xFFFF  }
0xd6: {  	_ =	strace $0x9000004A  }
0xd7: {  	s0 =	stileid.u32;
	[bflag:$0x2] =	sbarrier.arrive $0xFFFF  }
0xd8: {  	p0 =	sne.s32 s0, $0x0;
	s0 =	rddreg [dreg:$0x1]  }
0xd9: {  	s0 =	sadd.s32 @!p0 $0x100000, s0  }
0xda: {  	[sflag:s0] =	ssyncadd.tile.s32 @!p0 $0x1;
	_ =	shalt  }
.Lfunc_end2:
_tile_overlayer_lowered:
.L_overlay_start_2:
0xdb: {  	(tag) =	ssettag $0x2  }
0xdc: {  	s0 =	rddreg [dreg:$0x0];
	s2 =	stileid.u32  }
0xdd: {  	s1 =	rddreg [dreg:$0x1];
	p0 =	sne.s32 s2, $0x0  }
0xde: {  	s3 =	rddreg [dreg:$0x2];
	[bflag:$0x3] =	sbarrier.arrive $0xFFFF;
	s2 =	simm.s32 @!p0 $0x1C02  }
0xdf: {  	[timem:s3], [sflag:s2] =	dma.local @!p0 [hbm:s0], s1  }
0xe0: {  	s0 =	simm.s32 @!p0 $0x2  }
0xe1: {  	_ =	swait.ge @!p0 [sflag:s0], s1  }
0xe2: {  	s1 =	ssub.s32 @!p0 $0x0, s1;
	[sflag:s0] =	ssyncset.done @!p0 $0x0  }
0xe3: {  	[sflag:s0] =	ssyncadd.s32 @!p0 s1  }
0xe4: {  	[bflag:$0x3] =	sbarrier.arrive $0xFFFF  }
0xe5: {  	_ =	shalt  }

// kernel: kernel.9.cloned.1.call-start
scs
__scs_entry_jumppad:
0x0: {  	(pc) =	sbr.rel $0x88, $3  }
0x1: {  	(tag) =	ssettag $0x0;
	lr =	simm.s32 $0x1  }
0x2: {  	[smem:$0x3F97] =	sst lr;
	_ =	strace $0xD0000000  }
0x3: {  	_ = 	snop  }
0x4: {  	_ = 	snop  }
0x5: {  	_ = 	snop  }
0x6: {  	_ = 	snop  }
0x7: {  	_ = 	snop  }
__scs_overlays_trampoline_lowered:
0x8: {  	[smem:$0x3FA6] =	sst s0  }
0x9: {  	[smem:$0x3FA7] =	sst s1  }
0xa: {  	[smem:$0x3FA8] =	sst s2  }
0xb: {  	[smem:$0x3FA9] =	sst s3  }
0xc: {  	[smem:$0x3FAA] =	sst s4  }
0xd: {  	[smem:$0x3FAB] =	sst s5  }
0xe: {  	[smem:$0x3FAC] =	sst s6  }
0xf: {  	[smem:$0x3FAD] =	sst s7  }
0x10: {  	[smem:$0x3FAE] =	sst s8  }
0x11: {  	[smem:$0x3FAF] =	sst s9;
	s0 =	simm.s32 @!p0 $0x0  }
0x12: {  	s1 =	sld [smem:$0x3F95];
	s0 =	simm.s32 @p0 $0x1  }
0x13: {  	[smem:$0x3FB0] =	sst s0;
	s0 =	simm.s32 @!p1 $0x0  }
0x14: {  	s2 =	sld [smem:$0x3F94];
	s0 =	simm.s32 @p1 $0x1  }
0x15: {  	[smem:$0x3FB1] =	sst s0;
	s0 =	simm.s32 @!p2 $0x0  }
0x16: {  	s3 =	sld [smem:$0x3FDB];
	s0 =	simm.s32 @p2 $0x1  }
0x17: {  	s4 =	simm.s32 $0x1BF5;
	[smem:$0x3FB3] =	sst s0  }
0x18: {  	s0 =	sld [smem:$0x3F96];
	_ =	swait.ge [sflag:s4], $0x0  }
0x19: {  	s7 =	sld [smem:$0x3F97]  }
0x1a: {  	s8 =	sadd.s32 $0xFFFFE003, lr  }
0x1b: {  	s9 =	sadd.s32 $0xFFFFFEF7, lr;
	s5 =	simm.s32 $0xFFFFFFFF;
	p2 =	slt.u32 s8, $0xFFFFF086  }
0x1c: {  	p1 =	slt.u32 s9, $0xF7A;
	s5 =	simm.s32 @!p2 $0x0  }
0x1d: {  	s5 =	simm.s32 @p1 $0x1;
	p0 =	seq.s32 s7, s2  }
0x1e: {  	s7 =	smul.u32 @!p0 $0xF7A, s2;
	p2 =	seq.s32 @!p0 s5, $0x0  }
0x1f: {  	s9 =	smul.u32 $0xF7A, s1;
	s8 =	simm.s32 @!p0 $0x1BF5;
	p2 =	por !p2, p0  }
0x20: {  	[sflag:s8] =	ssyncset.s32 @!p0 $0xFFFFF086;
	s6 =	sadd.s32 @!p0 s3, s7;
	s7 =	simm.s32 @!p0 $0x108  }
0x21: {  	s3 =	sadd.s32 s3, s9;
	s6 =	sadd.s32 @!p0 $0x88, s6;
	s7 =	simm.s32 @p2 $0x1082  }
0x22: {  	[simem:s7], [sflag:s8] =	dma.local @!p0 [hbm:s6], $0xF7A  }
0x23: {  	s9 =	sor.u32 $0xD0000000, s2;
	s6 =	simm.s32 $0x108;
	_ =	swait.ge @!p0 [sflag:s8], $0x0  }
0x24: {  	s3 =	sadd.s32 $0x88, s3;
	s6 =	simm.s32 @!p1 $0x1082;
	[sflag:s4] =	ssyncset.s32 $0xFFFFF086  }
0x25: {  	[simem:s6], [sflag:s4] =	dma.local [hbm:s3], $0xF7A  }
0x26: {  	[smem:$0x3F97] =	sst s1;
	(tag) =	ssettag s2;
	_ =	strace s9  }
0x27: {  	s1 =	sld [smem:$0x3FA7]  }
0x28: {  	s2 =	sld [smem:$0x3FA8]  }
0x29: {  	s4 =	sld [smem:$0x3FAA]  }
0x2a: {  	p0 =	seq.s32 s5, $0x0;
	s5 =	sld [smem:$0x3FAB]  }
0x2b: {  	s6 =	sld [smem:$0x3FAC]  }
0x2c: {  	s7 =	sld [smem:$0x3FAD]  }
0x2d: {  	s3 =	simm.s32 $0x108;
	s8 =	sld [smem:$0x3FAE]  }
0x2e: {  	s3 =	simm.s32 @!p0 $0x1082;
	s9 =	sld [smem:$0x3FAF]  }
0x2f: {  	lr =	sadd.s32 s0, s3;
	s0 =	sld [smem:$0x3FA6]  }
0x30: {  	s3 =	sld [smem:$0x3FA9]  }
0x31: {  	[smem:$0x3FB2] =	sst s10  }
0x32: {  	s10 =	sld [smem:$0x3FB0];
	_ =	sdelay $0x3  }
0x33: {  	p0 =	seq.s32 s10, $0x1;
	s10 =	sld [smem:$0x3FB2];
	_ =	sdelay $0x3  }
0x34: {  	[smem:$0x3FB2] =	sst s10  }
0x35: {  	s10 =	sld [smem:$0x3FB1];
	_ =	sdelay $0x3  }
0x36: {  	p1 =	seq.s32 s10, $0x1;
	s10 =	sld [smem:$0x3FB2];
	_ =	sdelay $0x3  }
0x37: {  	[smem:$0x3FB2] =	sst s10  }
0x38: {  	s10 =	sld [smem:$0x3FB3]  }
0x39: {  	_ = 	snop;
	(pc) =	sbr.ind lr, $3  }
0x3a: {  	_ = 	snop  }
0x3b: {  	_ = 	snop  }
0x3c: {  	p2 =	seq.s32 s10, $0x1;
	s10 =	sld [smem:$0x3FB2]  }
0x3d: {  	_ =	shalt  }
0x3e: {  	_ =	shalt  }
0x3f: {  	_ =	shalt  }
0x40: {  	_ =	shalt  }
0x41: {  	_ =	shalt  }
0x42: {  	_ =	shalt  }
0x43: {  	_ =	shalt  }
0x44: {  	_ =	shalt  }
0x45: {  	_ =	shalt  }
0x46: {  	_ =	shalt  }
0x47: {  	_ =	shalt  }
0x48: {  	_ =	shalt  }
0x49: {  	_ =	shalt  }
0x4a: {  	_ =	shalt  }
0x4b: {  	_ =	shalt  }
0x4c: {  	_ =	shalt  }
0x4d: {  	_ =	shalt  }
0x4e: {  	_ =	shalt  }
0x4f: {  	_ =	shalt  }
0x50: {  	_ =	shalt  }
0x51: {  	_ =	shalt  }
0x52: {  	_ =	shalt  }
0x53: {  	_ =	shalt  }
0x54: {  	_ =	shalt  }
0x55: {  	_ =	shalt  }
0x56: {  	_ =	shalt  }
0x57: {  	_ =	shalt  }
0x58: {  	_ =	shalt  }
0x59: {  	_ =	shalt  }
0x5a: {  	_ =	shalt  }
0x5b: {  	_ =	shalt  }
0x5c: {  	_ =	shalt  }
0x5d: {  	_ =	shalt  }
0x5e: {  	_ =	shalt  }
0x5f: {  	_ =	shalt  }
0x60: {  	_ =	shalt  }
0x61: {  	_ =	shalt  }
0x62: {  	_ =	shalt  }
0x63: {  	_ =	shalt  }
0x64: {  	_ =	shalt  }
0x65: {  	_ =	shalt  }
0x66: {  	_ =	shalt  }
0x67: {  	_ =	shalt  }
0x68: {  	_ =	shalt  }
0x69: {  	_ =	shalt  }
0x6a: {  	_ =	shalt  }
0x6b: {  	_ =	shalt  }
0x6c: {  	_ =	shalt  }
0x6d: {  	_ =	shalt  }
0x6e: {  	_ =	shalt  }
0x6f: {  	_ =	shalt  }
0x70: {  	_ =	shalt  }
0x71: {  	_ =	shalt  }
0x72: {  	_ =	shalt  }
0x73: {  	_ =	shalt  }
0x74: {  	_ =	shalt  }
0x75: {  	_ =	shalt  }
0x76: {  	_ =	shalt  }
0x77: {  	_ =	shalt  }
0x78: {  	_ =	shalt  }
0x79: {  	_ =	shalt  }
0x7a: {  	_ =	shalt  }
0x7b: {  	_ =	shalt  }
0x7c: {  	_ =	shalt  }
0x7d: {  	_ =	shalt  }
0x7e: {  	_ =	shalt  }
0x7f: {  	_ =	shalt  }
0x80: {  	_ =	shalt  }
0x81: {  	_ =	shalt  }
0x82: {  	_ =	shalt  }
0x83: {  	_ =	shalt  }
0x84: {  	_ =	shalt  }
0x85: {  	_ =	shalt  }
0x86: {  	_ =	shalt  }
0x87: {  	_ =	shalt  }
.Lfunc_end0:
.L_simem_size_0:
called_computation_lowered:
.L_overlay_start_0:
0x88: {  	s2 =	sld [smem:$0x3FD9]  }
0x89: {  	s3 =	sld [smem:$0x3FFE];
	_ =	sdelay $0x1  }
0x8a: {  	s1 =	srdreg.scid  }
0x8b: {  	s0 =	sand.u32 $0x1, s1  }
0x8c: {  	s17 =	sshll.u32 s0, $0xA;
	s2 =	sadd.s32 s3, s2  }
0x8d: {  	s2 =	sadd.s32 s2, s17  }
0x8e: {  	[smem:$0x3FBE] =	sst s2  }
0x8f: {  	_ = 	snop  }
0x90: {  	s2 =	sld [smem:$0x3FD0];
	(tm) =	ssettm $0x1  }
0x91: {  	s18 =	sld [smem:$0x3FFB];
	_ =	sdelay $0x3  }
0x92: {  	_ =	strace s18  }
0x93: {  	s3 =	sld [smem:$0x3FFC];
	_ =	sdelay $0x3  }
0x94: {  	_ =	strace s3  }
0x95: {  	s3 =	sld [smem:$0x3FFD];
	_ =	sdelay $0x3  }
0x96: {  	_ =	strace s3  }
0x97: {  	_ =	strace $0x8FFFFFFF  }
0x98: {  	s19 =	sld [smem:$0x3FDB];
	_ =	sdelay $0x1  }
0x99: {  	s4 =	simm.s32 $_scs_section_size  }
0x9a: {  	s5 =	simm.s32 $_size__tile_overlayer_lowered;
	s6 =	simm.s32 $_tile_overlayer_lowered  }
0x9b: {  	s22 =	simm.s32 $0x1BFF;
	s21 =	sshll.u32 s6, $0x1;
	s3 =	sadd.s32 s4, s19  }
0x9c: {  	s7 =	simm.s32 $0x0;
	s20 =	sshll.u32 s5, $0x1;
	s5 =	sadd.s32 s21, s3  }
0x9d: {  	[timem:s7], [sflag:s22] =	dma.local [hbm:s5], s20  }
0x9e: {  	_ =	swait.ge [sflag:s22], s20  }
0x9f: {  	s4 =	ssub.s32 $0x0, s20;
	[sflag:s22] =	ssyncset.done $0x0  }
0xa0: {  	[sflag:s22] =	ssyncadd.s32 s4;
	_ =	sdelay $0x1  }
0xa1: {  	s23 =	simm.s32 $0x1B8B  }
0xa2: {  	_ =	swait.ge [sflag:s23], $0x1  }
0xa3: {  	[sflag:s23] =	ssyncset.done $0x0  }
0xa4: {  	s25 =	simm.s32 $0x1B8E;
	s24 =	sld [smem:$0x3FFE];
	[sflag:s23] =	ssyncadd.s32 $0xFFFFFFFF  }
0xa5: {  	s26 =	simm.s32 $execute0_lowered;
	[smem:$0x3FD2] =	sst s25  }
0xa6: {  	s5 =	sshll.u32 s26, $0x1;
	_ =	strace $0x80000046;
	[dreg:$0x1] =	wrdreg $0xFFFFFFFF  }
0xa7: {  	s28 =	simm.s32 $_size_execute0_lowered;
	s3 =	sadd.s32 s3, s5;
	[dreg:$0x0] =	wrdreg $0x0  }
0xa8: {  	s5 =	sshll.u32 s28, $0x1;
	[dreg:$0x2] =	wrdreg s3  }
0xa9: {  	[dreg:$0x3] =	wrdreg s5  }
0xaa: {  	[dreg:$0x4] =	wrdreg $0xC0  }
0xab: {  	_ =	task [dreg:s7], $0x5FFFF  }
0xac: {  	[dreg:$0x1] =	wrdreg $0xFFFFFFFF  }
0xad: {  	[dreg:$0x0] =	wrdreg $0x60  }
0xae: {  	[dreg:$0x2] =	wrdreg s2  }
0xaf: {  	[dreg:$0x3] =	wrdreg s24  }
0xb0: {  	[dreg:$0x4] =	wrdreg $0x9  }
0xb1: {  	_ =	task.clear_ibuf [dreg:s7], $0x5FFFF;
	_ =	strace $0x90000046  }
0xb2: {  	s29 =	simm.s32 $0x9;
	_ =	strace $0x80000048  }
0xb3: {  	_ =	swait.ge [sflag:s29], $0x1  }
0xb4: {  	[sflag:s29] =	ssyncadd.s32 $0xFFFFFFFF  }
0xb5: {  	_ =	strace $0x90000048  }
0xb6: {  	_ =	sfence  }
0xb7: {  	s30 =	sld [smem:$0x0];
	_ =	sdelay $0x2  }
0xb8: {  	s31 =	sshll.u32 s1, $0xD;
	s1 =	sshrl.u32 s1, $0x2  }
0xb9: {  	s3 =	sand.u32 $0x4000, s31;
	s1 =	sadd.s32 s1, s30  }
0xba: {  	s0 =	sor.u32 s3, s0;
	s1 =	sshll.u32 s1, $0x11  }
0xbb: {  	s0 =	sor.u32 s1, s0  }
0xbc: {  	s0 =	sadd.s32 $0x8F2B, s0  }
0xbd: {  	[sflag:s0] =	ssyncadd.remote.s32 $0x1  }
0xbe: {  	_ =	sfence.sel $0xFFFF  }
0xbf: {  	[dreg:$0x0] =	wrdreg $0xFFFFFFFF;
	(pc) =	sbr.abs _section_cstart, $3  }
0xc0: {  	[dreg:$0x1] =	wrdreg $0xFFFFFFFF  }
0xc1: {  	_ =	task.clear_ibuf [dreg:s7], $0x2FFFF;
	_ =	strace $0x9FFFFFFF  }
0xc2: {  	(tm) =	ssettm $0x7FFFFFFF  }
0xc3: {  	_ =	shalt  }
tec
execute0_lowered:
.L_overlay_start_1:
0x0: {  	(tag) =	ssettag $0x1  }
0x1: {  	s0 =	srdreg.scid;
	s1 =	rddreg [dreg:$0x0]  }
0x2: {  	s2 =	stileid.u32;
	s6 =	rddreg [dreg:$0x1];
	s26 =	simm.s32 $0x80  }
0x3: {  	s8 =	simm.s32 $0x2;
	s18 =	simm.s32 $0x1;
	s21 =	simm.s32 $0x1900  }
0x4: {  	s22 =	simm.s32 $0x2100;
	s23 =	simm.s32 $0x2900;
	s24 =	simm.s32 $0x3100  }
0x5: {  	s28 =	simm.s32 $0x4900;
	s29 =	simm.s32 $0x5100;
	s30 =	simm.s32 $0x5900  }
0x6: {  	s31 =	simm.s32 $0x6100;
	s10 =	simm.s32 $0x7900;
	s11 =	simm.s32 $0x8100  }
0x7: {  	s12 =	simm.s32 $0x8900;
	s13 =	simm.s32 $0x9100;
	s14 =	simm.s32 $0x9900  }
0x8: {  	s15 =	simm.s32 $0xA100;
	s16 =	simm.s32 $0xA900;
	s17 =	simm.s32 $0xB100  }
0x9: {  	s0 =	sand.u32 $0x1, s0;
	s3 =	sshll.u32 s2, $0x7;
	s2 =	simm.s32 $0x0  }
0xa: {  	s4 =	sshll.u32 s0, $0x6;
	[smem:$0x7FF] =	sst s2;
	s0 =	ssub.s32 $0x2, s0  }
0xb: {  	s4 =	sor.u32 s4, s3;
	_ =	strace $0x80000047;
	s25 =	sshrl.u32 s0, $0x1  }
0xc: {  	[dreg:$0x6] =	wrdreg s26;
	s3 =	sshrl.u32 s4, $0x3;
	s4 =	sshll.u32 s4, $0x7  }
0xd: {  	s26 =	simm.s32 $0x4100;
	s5 =	sadd.s32 s3, s6;
	s1 =	sadd.s32 s1, s4  }
0xe: {  	s0 =	ssub.s32 s0, s25;
	s7 =	sadd.s32 $0x3A00, s5;
	[dreg:$0x5] =	wrdreg s1  }
0xf: {  	v2 =	vlaneseq.u32;
	s25 =	simm.s32 $0x3900;
	s5 =	sadd.s32 $0x3800, s5;
	[dreg:$0x3] =	wrdreg s7  }
0x10: {  	vm0 =	vmmov $0xffff;
	v1 =	vshrl.u32 v2, $0x3;
	s3 =	sadd.s32 $0x3C00, s6;
	s4 =	sadd.s32 $0x3D00, s6;
	[dreg:$0x4] =	wrdreg s5  }
0x11: {  	v0 =	vand.u32 $0x7, v2;
	v2 =	vor.u32 $0x8, v2;
	v1 =	vmul.u32 $0x8, v1;
	s5 =	sadd.s32 $0x3E00, s6;
	s6 =	sadd.s32 $0x3F00, s6;
	s7 =	smax.u32 s0, $0x1  }
.LBB2_1:
0x12: {  	s19 =	rddreg [dreg:$0x3]  }
0x13: {  	[tilespmem:s2], [sflag:$0x2] =	stream.linear.gather [hbm4b:s19+s2], $0x40, $0x38;
	[tilespmem:$0x10100] =	vst v63  }
0x14: {  	_ =	swait.ge [sflag:s8], $0x40  }
0x15: {  	s1 =	rddreg [dreg:$0x4];
	[sflag:s8] =	ssyncset.done $0x0  }
0x16: {  	s20 =	rddreg [dreg:$0x6];
	[sflag:s8] =	ssyncadd.s32 $0xFFFFFFC0  }
0x17: {  	[tilespmem:s20], [sflag:$0x2] =	stream.linear.gather [hbm4b:s1+s2], $0x40, $0x38;
	[tilespmem:$0x10100] =	vst v63  }
0x18: {  	_ =	swait.ge [sflag:s8], $0x40  }
0x19: {  	[sflag:s8] =	ssyncset.done $0x0  }
0x1a: {  	s0 =	simm.s32 $0x100;
	s9 =	rddreg [dreg:$0x5];
	[sflag:s8] =	ssyncadd.s32 $0xFFFFFFC0  }
0x1b: {  	[tilespmem:s0], [sflag:$0x2] =	stream.linear.gather [hbm4b:s9+s2], $0x10000, $0x38;
	[tilespmem:$0x10100] =	vst v63  }
0x1c: {  	_ =	swait.ge [sflag:s8], $0x10000  }
0x1d: {  	[sflag:s8] =	ssyncset.done $0x0  }
0x1e: {  	[sflag:s8] =	ssyncadd.s32 $0xFFFF0000  }
0x1f: {  	v3 =	vld [tilespmem:$0x0];
	_ =	sdelay $0x4  }
0x20: {  	v4 =	vshll.u32 v3, $0x3  }
0x21: {  	v3 =	vand.u32 $0x7, v3;
	v4 =	vand.u32 $0xFFFFFFC0, v4  }
0x22: {  	v3 =	vor.u32 v3, v4  }
0x23: {  	v4 =	vperm.xlane v3, v0;
	_ =	sdelay $0x1  }
0x24: {  	v4 =	vadd.s32 v1, v4;
	_ =	sdelay $0x4  }
0x25: {  	[hbm4b:s3+s2] =	stream.indirect_vreg.scatter [tilespmem:s0], [sflag:$0x1], $0x80, v4, vm0, $0xb8;
	[tilespmem:$0x10100] =	vst v63  }
0x26: {  	s19 =	simm.s32 $0x900;
	v3 =	vperm.xlane v3, v2  }
0x27: {  	[hbm4b:s4+s2] =	stream.indirect_vreg.scatter [tilespmem:s19], [sflag:$0x1], $0x80, v4, vm0, $0xb8;
	[tilespmem:$0x10100] =	vst v63  }
0x28: {  	s20 =	simm.s32 $0x1100;
	v3 =	vadd.s32 v1, v3  }
0x29: {  	[hbm4b:s5+s2] =	stream.indirect_vreg.scatter [tilespmem:s20], [sflag:$0x1], $0x80, v4, vm0, $0xb8;
	[tilespmem:$0x10100] =	vst v63  }
0x2a: {  	_ = 	snop  }
0x2b: {  	[hbm4b:s6+s2] =	stream.indirect_vreg.scatter [tilespmem:s21], [sflag:$0x1], $0x80, v4, vm0, $0xb8;
	[tilespmem:$0x10100] =	vst v63  }
0x2c: {  	_ = 	snop  }
0x2d: {  	[hbm4b:s3+s2] =	stream.indirect_vreg.scatter [tilespmem:s22], [sflag:$0x1], $0x80, v3, vm0, $0xb8;
	[tilespmem:$0x10100] =	vst v63  }
0x2e: {  	_ = 	snop  }
0x2f: {  	[hbm4b:s4+s2] =	stream.indirect_vreg.scatter [tilespmem:s23], [sflag:$0x1], $0x80, v3, vm0, $0xb8;
	[tilespmem:$0x10100] =	vst v63  }
0x30: {  	_ = 	snop  }
0x31: {  	[hbm4b:s5+s2] =	stream.indirect_vreg.scatter [tilespmem:s24], [sflag:$0x1], $0x80, v3, vm0, $0xb8;
	[tilespmem:$0x10100] =	vst v63  }
0x32: {  	_ = 	snop  }
0x33: {  	[hbm4b:s6+s2] =	stream.indirect_vreg.scatter [tilespmem:s25], [sflag:$0x1], $0x80, v3, vm0, $0xb8;
	[tilespmem:$0x10100] =	vst v63  }
0x34: {  	v3 =	vld [tilespmem:$0x10];
	_ =	sdelay $0x4  }
0x35: {  	v57 =	vshll.u32 v3, $0x3  }
0x36: {  	v3 =	vand.u32 $0x7, v3;
	v4 =	vand.u32 $0xFFFFFFC0, v57  }
0x37: {  	v3 =	vor.u32 v3, v4  }
0x38: {  	v4 =	vperm.xlane v3, v0;
	_ =	sdelay $0x1  }
0x39: {  	v4 =	vadd.s32 v1, v4;
	_ =	sdelay $0x4  }
0x3a: {  	[hbm4b:s3+s2] =	stream.indirect_vreg.scatter [tilespmem:s26], [sflag:$0x1], $0x80, v4, vm0, $0xb8;
	[tilespmem:$0x10100] =	vst v63  }
0x3b: {  	v3 =	vperm.xlane v3, v2  }
0x3c: {  	[hbm4b:s4+s2] =	stream.indirect_vreg.scatter [tilespmem:s28], [sflag:$0x1], $0x80, v4, vm0, $0xb8;
	[tilespmem:$0x10100] =	vst v63  }
0x3d: {  	v3 =	vadd.s32 v1, v3  }
0x3e: {  	[hbm4b:s5+s2] =	stream.indirect_vreg.scatter [tilespmem:s29], [sflag:$0x1], $0x80, v4, vm0, $0xb8;
	[tilespmem:$0x10100] =	vst v63  }
0x3f: {  	_ = 	snop  }
0x40: {  	[hbm4b:s6+s2] =	stream.indirect_vreg.scatter [tilespmem:s30], [sflag:$0x1], $0x80, v4, vm0, $0xb8;
	[tilespmem:$0x10100] =	vst v63  }
0x41: {  	_ = 	snop  }
0x42: {  	[hbm4b:s3+s2] =	stream.indirect_vreg.scatter [tilespmem:s31], [sflag:$0x1], $0x80, v3, vm0, $0xb8;
	[tilespmem:$0x10100] =	vst v63  }
0x43: {  	s1 =	simm.s32 $0x6900  }
0x44: {  	[hbm4b:s4+s2] =	stream.indirect_vreg.scatter [tilespmem:s1], [sflag:$0x1], $0x80, v3, vm0, $0xb8;
	[tilespmem:$0x10100] =	vst v63  }
0x45: {  	s9 =	simm.s32 $0x7100  }
0x46: {  	[hbm4b:s5+s2] =	stream.indirect_vreg.scatter [tilespmem:s9], [sflag:$0x1], $0x80, v3, vm0, $0xb8;
	[tilespmem:$0x10100] =	vst v63  }
0x47: {  	_ = 	snop  }
0x48: {  	[hbm4b:s6+s2] =	stream.indirect_vreg.scatter [tilespmem:s10], [sflag:$0x1], $0x80, v3, vm0, $0xb8;
	[tilespmem:$0x10100] =	vst v63  }
0x49: {  	v3 =	vld [tilespmem:$0x20];
	_ =	sdelay $0x4  }
0x4a: {  	v58 =	vshll.u32 v3, $0x3  }
0x4b: {  	v3 =	vand.u32 $0x7, v3;
	v4 =	vand.u32 $0xFFFFFFC0, v58  }
0x4c: {  	v3 =	vor.u32 v3, v4  }
0x4d: {  	v4 =	vperm.xlane v3, v0;
	_ =	sdelay $0x1  }
0x4e: {  	v4 =	vadd.s32 v1, v4;
	_ =	sdelay $0x4  }
0x4f: {  	[hbm4b:s3+s2] =	stream.indirect_vreg.scatter [tilespmem:s11], [sflag:$0x1], $0x80, v4, vm0, $0xb8;
	[tilespmem:$0x10100] =	vst v63  }
0x50: {  	v3 =	vperm.xlane v3, v2  }
0x51: {  	[hbm4b:s4+s2] =	stream.indirect_vreg.scatter [tilespmem:s12], [sflag:$0x1], $0x80, v4, vm0, $0xb8;
	[tilespmem:$0x10100] =	vst v63  }
0x52: {  	v3 =	vadd.s32 v1, v3  }
0x53: {  	[hbm4b:s5+s2] =	stream.indirect_vreg.scatter [tilespmem:s13], [sflag:$0x1], $0x80, v4, vm0, $0xb8;
	[tilespmem:$0x10100] =	vst v63  }
0x54: {  	_ = 	snop  }
0x55: {  	[hbm4b:s6+s2] =	stream.indirect_vreg.scatter [tilespmem:s14], [sflag:$0x1], $0x80, v4, vm0, $0xb8;
	[tilespmem:$0x10100] =	vst v63  }
0x56: {  	_ = 	snop  }
0x57: {  	[hbm4b:s3+s2] =	stream.indirect_vreg.scatter [tilespmem:s15], [sflag:$0x1], $0x80, v3, vm0, $0xb8;
	[tilespmem:$0x10100] =	vst v63  }
0x58: {  	_ = 	snop  }
0x59: {  	[hbm4b:s4+s2] =	stream.indirect_vreg.scatter [tilespmem:s16], [sflag:$0x1], $0x80, v3, vm0, $0xb8;
	[tilespmem:$0x10100] =	vst v63  }
0x5a: {  	_ = 	snop  }
0x5b: {  	[hbm4b:s5+s2] =	stream.indirect_vreg.scatter [tilespmem:s17], [sflag:$0x1], $0x80, v3, vm0, $0xb8;
	[tilespmem:$0x10100] =	vst v63  }
0x5c: {  	s9 =	simm.s32 $0xB900  }
0x5d: {  	[hbm4b:s6+s2] =	stream.indirect_vreg.scatter [tilespmem:s9], [sflag:$0x1], $0x80, v3, vm0, $0xb8;
	[tilespmem:$0x10100] =	vst v63  }
0x5e: {  	v3 =	vld [tilespmem:$0x30];
	_ =	sdelay $0x4  }
0x5f: {  	v59 =	vshll.u32 v3, $0x3  }
0x60: {  	v3 =	vand.u32 $0x7, v3;
	v4 =	vand.u32 $0xFFFFFFC0, v59  }
0x61: {  	v3 =	vor.u32 v3, v4  }
0x62: {  	v4 =	vperm.xlane v3, v0;
	_ =	sdelay $0x1  }
0x63: {  	v4 =	vadd.s32 v1, v4;
	_ =	sdelay $0x3  }
0x64: {  	s1 =	simm.s32 $0xC100  }
0x65: {  	[hbm4b:s3+s2] =	stream.indirect_vreg.scatter [tilespmem:s1], [sflag:$0x1], $0x80, v4, vm0, $0xb8;
	[tilespmem:$0x10100] =	vst v63  }
0x66: {  	v3 =	vperm.xlane v3, v2;
	s1 =	simm.s32 $0xC900  }
0x67: {  	[hbm4b:s4+s2] =	stream.indirect_vreg.scatter [tilespmem:s1], [sflag:$0x1], $0x80, v4, vm0, $0xb8;
	[tilespmem:$0x10100] =	vst v63  }
0x68: {  	v3 =	vadd.s32 v1, v3;
	s1 =	simm.s32 $0xD100  }
0x69: {  	[hbm4b:s5+s2] =	stream.indirect_vreg.scatter [tilespmem:s1], [sflag:$0x1], $0x80, v4, vm0, $0xb8;
	[tilespmem:$0x10100] =	vst v63  }
0x6a: {  	s1 =	simm.s32 $0xD900  }
0x6b: {  	[hbm4b:s6+s2] =	stream.indirect_vreg.scatter [tilespmem:s1], [sflag:$0x1], $0x80, v4, vm0, $0xb8;
	[tilespmem:$0x10100] =	vst v63  }
0x6c: {  	s1 =	simm.s32 $0xE100  }
0x6d: {  	[hbm4b:s3+s2] =	stream.indirect_vreg.scatter [tilespmem:s1], [sflag:$0x1], $0x80, v3, vm0, $0xb8;
	[tilespmem:$0x10100] =	vst v63  }
0x6e: {  	s1 =	simm.s32 $0xE900  }
0x6f: {  	[hbm4b:s4+s2] =	stream.indirect_vreg.scatter [tilespmem:s1], [sflag:$0x1], $0x80, v3, vm0, $0xb8;
	[tilespmem:$0x10100] =	vst v63  }
0x70: {  	s1 =	simm.s32 $0xF100  }
0x71: {  	[hbm4b:s5+s2] =	stream.indirect_vreg.scatter [tilespmem:s1], [sflag:$0x1], $0x80, v3, vm0, $0xb8;
	[tilespmem:$0x10100] =	vst v63  }
0x72: {  	s1 =	simm.s32 $0xF900  }
0x73: {  	[hbm4b:s6+s2] =	stream.indirect_vreg.scatter [tilespmem:s1], [sflag:$0x1], $0x80, v3, vm0, $0xb8;
	[tilespmem:$0x10100] =	vst v63  }
0x74: {  	_ =	swait.ge [sflag:s18], $0x10000  }
0x75: {  	[sflag:s18] =	ssyncset.done $0x0  }
0x76: {  	[sflag:s18] =	ssyncadd.s32 $0xFFFF0000  }
0x77: {  	v3 =	vld [tilespmem:$0x80];
	_ =	sdelay $0x4  }
0x78: {  	v60 =	vshll.u32 v3, $0x3  }
0x79: {  	v3 =	vand.u32 $0x7, v3;
	v4 =	vand.u32 $0xFFFFFFC0, v60  }
0x7a: {  	v3 =	vor.u32 v3, v4  }
0x7b: {  	v4 =	vperm.xlane v3, v0;
	_ =	sdelay $0x1  }
0x7c: {  	v4 =	vadd.s32 v1, v4;
	_ =	sdelay $0x4  }
0x7d: {  	[hbm4b:s3+s2] =	stream.indirect_vreg.scatter [tilespmem:s0], [sflag:$0x1], $0x80, v4, vm0, $0xb8;
	[tilespmem:$0x10100] =	vst v63  }
0x7e: {  	v3 =	vperm.xlane v3, v2  }
0x7f: {  	[hbm4b:s4+s2] =	stream.indirect_vreg.scatter [tilespmem:s19], [sflag:$0x1], $0x80, v4, vm0, $0xb8;
	[tilespmem:$0x10100] =	vst v63  }
0x80: {  	v3 =	vadd.s32 v1, v3  }
0x81: {  	[hbm4b:s5+s2] =	stream.indirect_vreg.scatter [tilespmem:s20], [sflag:$0x1], $0x80, v4, vm0, $0xb8;
	[tilespmem:$0x10100] =	vst v63  }
0x82: {  	_ = 	snop  }
0x83: {  	[hbm4b:s6+s2] =	stream.indirect_vreg.scatter [tilespmem:s21], [sflag:$0x1], $0x80, v4, vm0, $0xb8;
	[tilespmem:$0x10100] =	vst v63  }
0x84: {  	_ = 	snop  }
0x85: {  	[hbm4b:s3+s2] =	stream.indirect_vreg.scatter [tilespmem:s22], [sflag:$0x1], $0x80, v3, vm0, $0xb8;
	[tilespmem:$0x10100] =	vst v63  }
0x86: {  	_ = 	snop  }
0x87: {  	[hbm4b:s4+s2] =	stream.indirect_vreg.scatter [tilespmem:s23], [sflag:$0x1], $0x80, v3, vm0, $0xb8;
	[tilespmem:$0x10100] =	vst v63  }
0x88: {  	_ = 	snop  }
0x89: {  	[hbm4b:s5+s2] =	stream.indirect_vreg.scatter [tilespmem:s24], [sflag:$0x1], $0x80, v3, vm0, $0xb8;
	[tilespmem:$0x10100] =	vst v63  }
0x8a: {  	_ = 	snop  }
0x8b: {  	[hbm4b:s6+s2] =	stream.indirect_vreg.scatter [tilespmem:s25], [sflag:$0x1], $0x80, v3, vm0, $0xb8;
	[tilespmem:$0x10100] =	vst v63  }
0x8c: {  	v3 =	vld [tilespmem:$0x90];
	_ =	sdelay $0x4  }
0x8d: {  	v61 =	vshll.u32 v3, $0x3  }
0x8e: {  	v3 =	vand.u32 $0x7, v3;
	v4 =	vand.u32 $0xFFFFFFC0, v61  }
0x8f: {  	v3 =	vor.u32 v3, v4  }
0x90: {  	v4 =	vperm.xlane v3, v0;
	_ =	sdelay $0x1  }
0x91: {  	v4 =	vadd.s32 v1, v4;
	_ =	sdelay $0x4  }
0x92: {  	[hbm4b:s3+s2] =	stream.indirect_vreg.scatter [tilespmem:s26], [sflag:$0x1], $0x80, v4, vm0, $0xb8;
	[tilespmem:$0x10100] =	vst v63  }
0x93: {  	v3 =	vperm.xlane v3, v2  }
0x94: {  	[hbm4b:s4+s2] =	stream.indirect_vreg.scatter [tilespmem:s28], [sflag:$0x1], $0x80, v4, vm0, $0xb8;
	[tilespmem:$0x10100] =	vst v63  }
0x95: {  	v3 =	vadd.s32 v1, v3  }
0x96: {  	[hbm4b:s5+s2] =	stream.indirect_vreg.scatter [tilespmem:s29], [sflag:$0x1], $0x80, v4, vm0, $0xb8;
	[tilespmem:$0x10100] =	vst v63  }
0x97: {  	_ = 	snop  }
0x98: {  	[hbm4b:s6+s2] =	stream.indirect_vreg.scatter [tilespmem:s30], [sflag:$0x1], $0x80, v4, vm0, $0xb8;
	[tilespmem:$0x10100] =	vst v63  }
0x99: {  	_ = 	snop  }
0x9a: {  	[hbm4b:s3+s2] =	stream.indirect_vreg.scatter [tilespmem:s31], [sflag:$0x1], $0x80, v3, vm0, $0xb8;
	[tilespmem:$0x10100] =	vst v63  }
0x9b: {  	s20 =	simm.s32 $0x6900  }
0x9c: {  	[hbm4b:s4+s2] =	stream.indirect_vreg.scatter [tilespmem:s20], [sflag:$0x1], $0x80, v3, vm0, $0xb8;
	[tilespmem:$0x10100] =	vst v63  }
0x9d: {  	s19 =	simm.s32 $0x7100  }
0x9e: {  	[hbm4b:s5+s2] =	stream.indirect_vreg.scatter [tilespmem:s19], [sflag:$0x1], $0x80, v3, vm0, $0xb8;
	[tilespmem:$0x10100] =	vst v63  }
0x9f: {  	_ = 	snop  }
0xa0: {  	[hbm4b:s6+s2] =	stream.indirect_vreg.scatter [tilespmem:s10], [sflag:$0x1], $0x80, v3, vm0, $0xb8;
	[tilespmem:$0x10100] =	vst v63  }
0xa1: {  	v3 =	vld [tilespmem:$0xA0];
	_ =	sdelay $0x4  }
0xa2: {  	v62 =	vshll.u32 v3, $0x3  }
0xa3: {  	v3 =	vand.u32 $0x7, v3;
	v4 =	vand.u32 $0xFFFFFFC0, v62  }
0xa4: {  	v3 =	vor.u32 v3, v4  }
0xa5: {  	v4 =	vperm.xlane v3, v0;
	_ =	sdelay $0x1  }
0xa6: {  	v4 =	vadd.s32 v1, v4;
	_ =	sdelay $0x4  }
0xa7: {  	[hbm4b:s3+s2] =	stream.indirect_vreg.scatter [tilespmem:s11], [sflag:$0x1], $0x80, v4, vm0, $0xb8;
	[tilespmem:$0x10100] =	vst v63  }
0xa8: {  	v3 =	vperm.xlane v3, v2  }
0xa9: {  	[hbm4b:s4+s2] =	stream.indirect_vreg.scatter [tilespmem:s12], [sflag:$0x1], $0x80, v4, vm0, $0xb8;
	[tilespmem:$0x10100] =	vst v63  }
0xaa: {  	v3 =	vadd.s32 v1, v3  }
0xab: {  	[hbm4b:s5+s2] =	stream.indirect_vreg.scatter [tilespmem:s13], [sflag:$0x1], $0x80, v4, vm0, $0xb8;
	[tilespmem:$0x10100] =	vst v63  }
0xac: {  	_ = 	snop  }
0xad: {  	[hbm4b:s6+s2] =	stream.indirect_vreg.scatter [tilespmem:s14], [sflag:$0x1], $0x80, v4, vm0, $0xb8;
	[tilespmem:$0x10100] =	vst v63  }
0xae: {  	_ = 	snop  }
0xaf: {  	[hbm4b:s3+s2] =	stream.indirect_vreg.scatter [tilespmem:s15], [sflag:$0x1], $0x80, v3, vm0, $0xb8;
	[tilespmem:$0x10100] =	vst v63  }
0xb0: {  	_ = 	snop  }
0xb1: {  	[hbm4b:s4+s2] =	stream.indirect_vreg.scatter [tilespmem:s16], [sflag:$0x1], $0x80, v3, vm0, $0xb8;
	[tilespmem:$0x10100] =	vst v63  }
0xb2: {  	_ = 	snop  }
0xb3: {  	[hbm4b:s5+s2] =	stream.indirect_vreg.scatter [tilespmem:s17], [sflag:$0x1], $0x80, v3, vm0, $0xb8;
	[tilespmem:$0x10100] =	vst v63  }
0xb4: {  	_ = 	snop  }
0xb5: {  	[hbm4b:s6+s2] =	stream.indirect_vreg.scatter [tilespmem:s9], [sflag:$0x1], $0x80, v3, vm0, $0xb8;
	[tilespmem:$0x10100] =	vst v63  }
0xb6: {  	v3 =	vld [tilespmem:$0xB0];
	_ =	sdelay $0x4  }
0xb7: {  	v63 =	vshll.u32 v3, $0x3  }
0xb8: {  	v3 =	vand.u32 $0x7, v3;
	v4 =	vand.u32 $0xFFFFFFC0, v63  }
0xb9: {  	v3 =	vor.u32 v3, v4  }
0xba: {  	v4 =	vperm.xlane v3, v0;
	_ =	sdelay $0x1  }
0xbb: {  	v4 =	vadd.s32 v1, v4;
	_ =	sdelay $0x3  }
0xbc: {  	s20 =	simm.s32 $0xC100  }
0xbd: {  	[hbm4b:s3+s2] =	stream.indirect_vreg.scatter [tilespmem:s20], [sflag:$0x1], $0x80, v4, vm0, $0xb8;
	[tilespmem:$0x10100] =	vst v63  }
0xbe: {  	s9 =	simm.s32 $0xC900;
	v3 =	vperm.xlane v3, v2  }
0xbf: {  	[hbm4b:s4+s2] =	stream.indirect_vreg.scatter [tilespmem:s9], [sflag:$0x1], $0x80, v4, vm0, $0xb8;
	[tilespmem:$0x10100] =	vst v63  }
0xc0: {  	s19 =	simm.s32 $0xD100;
	v3 =	vadd.s32 v1, v3  }
0xc1: {  	[hbm4b:s5+s2] =	stream.indirect_vreg.scatter [tilespmem:s19], [sflag:$0x1], $0x80, v4, vm0, $0xb8;
	[tilespmem:$0x10100] =	vst v63  }
0xc2: {  	s20 =	simm.s32 $0xD900  }
0xc3: {  	[hbm4b:s6+s2] =	stream.indirect_vreg.scatter [tilespmem:s20], [sflag:$0x1], $0x80, v4, vm0, $0xb8;
	[tilespmem:$0x10100] =	vst v63  }
0xc4: {  	s9 =	simm.s32 $0xE100  }
0xc5: {  	[hbm4b:s3+s2] =	stream.indirect_vreg.scatter [tilespmem:s9], [sflag:$0x1], $0x80, v3, vm0, $0xb8;
	[tilespmem:$0x10100] =	vst v63  }
0xc6: {  	s19 =	simm.s32 $0xE900  }
0xc7: {  	[hbm4b:s4+s2] =	stream.indirect_vreg.scatter [tilespmem:s19], [sflag:$0x1], $0x80, v3, vm0, $0xb8;
	[tilespmem:$0x10100] =	vst v63  }
0xc8: {  	p0 =	sne.s32 s7, $0x1;
	s20 =	simm.s32 $0xF100  }
0xc9: {  	[hbm4b:s5+s2] =	stream.indirect_vreg.scatter [tilespmem:s20], [sflag:$0x1], $0x80, v3, vm0, $0xb8;
	[tilespmem:$0x10100] =	vst v63  }
.Ltmp0:
0xca: {  	_ = 	snop;
	(pc) =	sbr.rel @p0 .LBB2_1-.Ltmp0, $4  }
0xcb: {  	[hbm4b:s6+s2] =	stream.indirect_vreg.scatter [tilespmem:s1], [sflag:$0x1], $0x80, v3, vm0, $0xb8;
	[tilespmem:$0x10100] =	vst v63  }
0xcc: {  	_ =	swait.ge [sflag:s18], $0x10000  }
0xcd: {  	[sflag:s18] =	ssyncset.done $0x0  }
0xce: {  	s7 =	sadd.s32 $0xFFFFFFFF, s7;
	[sflag:s18] =	ssyncadd.s32 $0xFFFF0000  }
0xcf: {  	_ =	sfence.sel $0x180000  }
0xd0: {  	[bflag:$0x0] =	sbarrier.arrive $0xFFFF  }
0xd1: {  	_ =	strace $0x90000047  }
0xd2: {  	s0 =	stileid.u32;
	[bflag:$0x2] =	sbarrier.arrive $0xFFFF  }
0xd3: {  	p0 =	sne.s32 s0, $0x0;
	s0 =	rddreg [dreg:$0x2]  }
0xd4: {  	s0 =	sadd.s32 @!p0 $0x100000, s0  }
0xd5: {  	[sflag:s0] =	ssyncadd.tile.s32 @!p0 $0x1;
	_ =	shalt  }
.Lfunc_end2:
_tile_overlayer_lowered:
.L_overlay_start_2:
0xd6: {  	(tag) =	ssettag $0x2  }
0xd7: {  	s0 =	rddreg [dreg:$0x0];
	s2 =	stileid.u32  }
0xd8: {  	s1 =	rddreg [dreg:$0x1];
	p0 =	sne.s32 s2, $0x0  }
0xd9: {  	s3 =	rddreg [dreg:$0x2];
	[bflag:$0x3] =	sbarrier.arrive $0xFFFF;
	s2 =	simm.s32 @!p0 $0x1C02  }
0xda: {  	[timem:s3], [sflag:s2] =	dma.local @!p0 [hbm:s0], s1  }
0xdb: {  	s0 =	simm.s32 @!p0 $0x2  }
0xdc: {  	_ =	swait.ge @!p0 [sflag:s0], s1  }
0xdd: {  	s1 =	ssub.s32 @!p0 $0x0, s1;
	[sflag:s0] =	ssyncset.done @!p0 $0x0  }
0xde: {  	[sflag:s0] =	ssyncadd.s32 @!p0 s1  }
0xdf: {  	[bflag:$0x3] =	sbarrier.arrive $0xFFFF  }
0xe0: {  	_ =	shalt  }

</sc_bundles>
